<compile_context>
chip_gen: v7x
topology: tpu7x:2x2x1
jax: 0.10.2.dev20260603
libtpu: 0.0.44.dev20260713+nightly
codegen_flags: <defaults>
</compile_context>

<pallas_src>
import functools

import jax
import jax.numpy as jnp
from jax import lax
from jax.experimental import pallas as pl
from jax.experimental.pallas import tpu as pltpu
from jax.experimental.pallas import tpu_sc as plsc

B = 16384
NUM = 13
F = 26
V = 100000
D = 32
H = 256
C = 7

VP = 100352
TV = VP // 4
NJ = 4

_NC, _NS = 2, 16
_NW = _NC * _NS
_RPW = B * F // _NW
_CHUNK = 104
_NCHUNK = _RPW // _CHUNK
_KF = 8
_NOUT = _NCHUNK // _KF

BLK = 512
NB = B // BLK
TBLK = 2048


def _pad_body(in_ref, e_ref, out_ref):
    x = in_ref[0]
    out_ref[0] = lax.dot_general(
        x, e_ref[...], (((0,), (0,)), ((), ())),
        preferred_element_type=jnp.float32)


def _tc_pad(embT):
    eye = jnp.eye(D, 128, dtype=jnp.float32)
    return pl.pallas_call(
        _pad_body,
        grid=(F, NJ),
        in_specs=[
            pl.BlockSpec((1, D, TV), lambda f, j: (f, 0, j)),
            pl.BlockSpec((D, 128), lambda f, j: (0, 0)),
        ],
        out_specs=pl.BlockSpec((1, TV, 128), lambda f, j: (f, j, 0)),
        out_shape=jax.ShapeDtypeStruct((F, VP, 128), jnp.float32),
    )(embT, eye)


def _sc_gather(table, idx3):
    mesh = plsc.VectorSubcoreMesh(core_axis_name="c", subcore_axis_name="s")

    @functools.partial(
        pl.kernel,
        mesh=mesh,
        out_type=jax.ShapeDtypeStruct((F * B, 128), jnp.float32),
        scratch_types=[
            pltpu.VMEM((_NCHUNK, _CHUNK), jnp.int32),
            pltpu.VMEM((_KF * _CHUNK, 128), jnp.float32),
            pltpu.SemaphoreType.DMA,
        ],
        compiler_params=pltpu.CompilerParams(use_tc_tiling_on_sc=True),
    )
    def gk(table_hbm, idx_hbm, out_hbm, idx_v, rows_v, sem):
        wid = lax.axis_index("s") * _NC + lax.axis_index("c")
        base = wid * _RPW
        pltpu.sync_copy(idx_hbm.at[wid], idx_v)

        def outer(t, carry):
            cps = []
            for k in range(_KF):
                cps.append(pltpu.async_copy(
                    table_hbm.at[idx_v.at[t * _KF + k]],
                    rows_v.at[pl.ds(k * _CHUNK, _CHUNK)],
                    sem))
            for cp in cps:
                cp.wait()
            pltpu.sync_copy(
                rows_v,
                out_hbm.at[pl.ds(base + t * (_KF * _CHUNK), _KF * _CHUNK)])
            return carry

        lax.fori_loop(0, _NOUT, outer, 0)

    return gk(table, idx3)


def _mlp_body(xnum_ref, embf_ref, w0n_ref, w0e_ref, b0_ref, g0_ref, be0_ref,
              w1_ref, b1_ref, g1_ref, be1_ref,
              w2_ref, b2_ref, g2_ref, be2_ref,
              wout_ref, bout_ref, out_ref, zbuf, acc, ebuf):
    t = pl.program_id(0)

    @pl.when(t < NB)
    def _layer0():
        @pl.when(t == 0)
        def _init():
            acc[...] = jnp.zeros_like(acc[...])

        for f in range(F):
            ebuf[:, f * D:(f + 1) * D] = embf_ref[f, :, :D]
        z = (jnp.dot(xnum_ref[...], w0n_ref[...],
                     preferred_element_type=jnp.float32)
             + jnp.dot(ebuf[...], w0e_ref[...],
                       preferred_element_type=jnp.float32)
             + b0_ref[...])
        zbuf[pl.ds(t * BLK, BLK), :] = z
        acc[0:1, :] += jnp.sum(z, axis=0, keepdims=True)
        acc[1:2, :] += jnp.sum(z * z, axis=0, keepdims=True)

    def _affine(g_ref, be_ref):
        mean = acc[0:1, :] * (1.0 / B)
        var = acc[1:2, :] * (1.0 / B) - mean * mean
        scale = g_ref[...] * lax.rsqrt(var + 1e-5)
        shift = be_ref[...] - mean * scale
        return scale, shift

    def _mid(w_ref, b_ref, g_ref, be_ref):
        scale, shift = _affine(g_ref, be_ref)

        def body(j, s):
            zs = zbuf[pl.ds(j * TBLK, TBLK), :]
            h = jnp.maximum(zs * scale + shift, 0.0)
            z = jnp.dot(h, w_ref[...],
                        preferred_element_type=jnp.float32) + b_ref[...]
            zbuf[pl.ds(j * TBLK, TBLK), :] = z
            return (s[0] + jnp.sum(z, axis=0, keepdims=True),
                    s[1] + jnp.sum(z * z, axis=0, keepdims=True))

        s0 = (jnp.zeros((1, H), jnp.float32), jnp.zeros((1, H), jnp.float32))
        s = lax.fori_loop(0, B // TBLK, body, s0)
        acc[0:1, :] = s[0]
        acc[1:2, :] = s[1]

    @pl.when(t == NB)
    def _layer1():
        _mid(w1_ref, b1_ref, g0_ref, be0_ref)

    @pl.when(t == NB + 1)
    def _layer2():
        _mid(w2_ref, b2_ref, g1_ref, be1_ref)

    @pl.when(t == NB + 2)
    def _head():
        scale, shift = _affine(g2_ref, be2_ref)

        def body(j, carry):
            zs = zbuf[pl.ds(j * TBLK, TBLK), :]
            h = jnp.maximum(zs * scale + shift, 0.0)
            out_ref[pl.ds(j * TBLK, TBLK), :] = (
                jnp.dot(h, wout_ref[...],
                        preferred_element_type=jnp.float32) + bout_ref[...])
            return carry

        lax.fori_loop(0, B // TBLK, body, 0)


def _tc_mlp(xnum, embf, w0n, w0e, b0, g0, be0,
            W1, b1, g1, be1, W2, b2, g2, be2, Wout, bout):
    def full(shape):
        return pl.BlockSpec(shape, lambda t: (0, 0))

    def inb(t):
        return (jnp.minimum(t, NB - 1), 0)

    return pl.pallas_call(
        _mlp_body,
        grid=(NB + 3,),
        in_specs=[
            pl.BlockSpec((BLK, NUM), inb),
            pl.BlockSpec((F, BLK, 128),
                         lambda t: (0, jnp.minimum(t, NB - 1), 0)),
            full((NUM, H)), full((F * D, H)),
            full((1, H)), full((1, H)), full((1, H)),
            full((H, H)), full((1, H)), full((1, H)), full((1, H)),
            full((H, H)), full((1, H)), full((1, H)), full((1, H)),
            full((H, C)), full((1, C)),
        ],
        out_specs=pl.BlockSpec((B, C), lambda t: (0, 0)),
        out_shape=jax.ShapeDtypeStruct((B, C), jnp.float32),
        scratch_shapes=[
            pltpu.VMEM((B, H), jnp.float32),
            pltpu.VMEM((2, H), jnp.float32),
            pltpu.VMEM((BLK, F * D), jnp.float32),
        ],
        compiler_params=pltpu.CompilerParams(
            dimension_semantics=("arbitrary",)),
    )(xnum, embf, w0n, w0e, b0, g0, be0,
      W1, b1, g1, be1, W2, b2, g2, be2, Wout, bout)


def kernel(x, emb, W0, b0, g0, be0, W1, b1, g1, be1, W2, b2, g2, be2,
           Wout, bout):
    xnum = x[:, :NUM]
    xcat = x[:, NUM:].astype(jnp.int32)
    idx_fm = xcat.T + (jnp.arange(F, dtype=jnp.int32) * VP)[:, None]
    idx3 = idx_fm.reshape(_NW, _NCHUNK, _CHUNK)
    table = _tc_pad(emb.transpose(0, 2, 1)).reshape(F * VP, 128)
    rows = _sc_gather(table, idx3)
    embf = rows.reshape(F, B, 128)
    return _tc_mlp(
        xnum, embf, W0[:NUM], W0[NUM:],
        b0.reshape(1, H), g0.reshape(1, H), be0.reshape(1, H),
        W1, b1.reshape(1, H), g1.reshape(1, H), be1.reshape(1, H),
        W2, b2.reshape(1, H), g2.reshape(1, H), be2.reshape(1, H),
        Wout, bout.reshape(1, C))

# --- scband reference (transcript-rebuilt; emitter-appended) ---
"""Pipeline reference for scband-fertilizer-classifier-44744969289964 (READ-ONLY COPY).

The authoritative reference and input builder live on the scoring server;
editing this copy changes nothing except your own understanding.
"""

import jax, jax.numpy as jnp
import numpy as np

B = 16384
NUM = 13
F = 26
V = 100000
D = 32
H = 256
C = 7
IN0 = NUM + F * D


def setup_inputs(seed: int = 0) -> dict:
    key = jax.random.key(seed)
    ks = jax.random.split(key, 20)
    x = jax.random.randint(ks[0], (B, NUM + F), 0, V).astype(jnp.float32)
    emb = jax.random.normal(ks[1], (F, V, D), dtype=jnp.float32) * 0.05
    W0 = jax.random.normal(ks[2], (IN0, H), dtype=jnp.float32) * (1.0 / np.sqrt(IN0))
    b0 = jnp.zeros((H,), dtype=jnp.float32)
    g0 = jnp.ones((H,), dtype=jnp.float32)
    be0 = jnp.zeros((H,), dtype=jnp.float32)
    W1 = jax.random.normal(ks[3], (H, H), dtype=jnp.float32) * (1.0 / np.sqrt(H))
    b1 = jnp.zeros((H,), dtype=jnp.float32)
    g1 = jnp.ones((H,), dtype=jnp.float32)
    be1 = jnp.zeros((H,), dtype=jnp.float32)
    W2 = jax.random.normal(ks[4], (H, H), dtype=jnp.float32) * (1.0 / np.sqrt(H))
    b2 = jnp.zeros((H,), dtype=jnp.float32)
    g2 = jnp.ones((H,), dtype=jnp.float32)
    be2 = jnp.zeros((H,), dtype=jnp.float32)
    Wout = jax.random.normal(ks[5], (H, C), dtype=jnp.float32) * (1.0 / np.sqrt(H))
    bout = jnp.zeros((C,), dtype=jnp.float32)
    return {"x": x, "emb": emb, "W0": W0, "b0": b0, "g0": g0, "be0": be0,
            "W1": W1, "b1": b1, "g1": g1, "be1": be1,
            "W2": W2, "b2": b2, "g2": g2, "be2": be2,
            "Wout": Wout, "bout": bout}


def reference(x, emb, W0, b0, g0, be0, W1, b1, g1, be1, W2, b2, g2, be2, Wout, bout):
    def bn(h, g, be):
        m = h.mean(axis=0)
        v = h.var(axis=0)
        return (h - m) / jnp.sqrt(v + 1e-5) * g + be

    x_num = x[:, :NUM]
    x_cat = x[:, NUM:].astype(jnp.int32)
    # per-field embedding lookup: emb[i][x_cat[:, i]] -> [B, F, D]
    embedded = jax.vmap(lambda table, idx: table[idx], in_axes=(0, 1), out_axes=1)(emb, x_cat)
    h = jnp.concatenate([x_num, embedded.reshape(x.shape[0], F * D)], axis=1)
    for (W, b, g, be) in ((W0, b0, g0, be0), (W1, b1, g1, be1), (W2, b2, g2, be2)):
        h = h @ W + b
        h = bn(h, g, be)
        h = jax.nn.relu(h)
        # dropout_rate = 0.0 -> identity
    return h @ Wout + bout

if __name__ == "__main__":
    import jax
    _d = setup_inputs()
    print(jax.jit(kernel)(*tuple(_d.values())))

</pallas_src>

<mosaic_0001>
#map = affine_map<(d0, d1) -> (0, 0)>
#map1 = affine_map<(d0, d1) -> (0, 0, 0)>
module attributes {stable_mosaic.version = 14 : i64} {
  func.func @gk(%arg0: i32, %arg1: i32, %arg2: memref<2609152x128xf32, #tpu.memory_space<hbm>>, %arg3: memref<32x128x104xi32, #tpu.memory_space<hbm>>, %arg4: memref<425984x128xf32, #tpu.memory_space<hbm>>, %arg5: memref<128x104xi32, #tpu.memory_space<vmem>>, %arg6: memref<832x128xf32, #tpu.memory_space<vmem>>, %arg7: memref<!tpu.dma_semaphore, #tpu.memory_space<semaphore_mem>>) attributes {dimension_semantics = [#tpu.dimension_semantics<core_parallel>, #tpu.dimension_semantics<subcore_parallel>], iteration_bounds = array<i64: 2, 16>, scalar_prefetch = 0 : i64, scratch_operands = 3 : i64, tpu.core_type = #tpu.core_type<sc_vector_subcore>, window_params = [{transform_indices = #map}, {transform_indices = #map1}, {transform_indices = #map}]} {
    %mul3A = arith.constant 2 : i32
    %mul3A_0 = arith.muli %arg1, %mul3A : i32
    %add3A = arith.addi %mul3A_0, %arg0 : i32
    %mul3A_1 = arith.constant 13312 : i32
    %mul3A_2 = arith.muli %add3A, %mul3A_1 : i32
    "tpu.region"() ({
      %run_scoped3A = tpu.sem_alloc : memref<!tpu.dma_semaphore, #tpu.memory_space<semaphore_mem>>
      %dma_start3A = arith.constant 0 : i32
      %dma_start3A_8 = arith.constant 0 : i32
      %dma_start3A_9 = tpu.memref_slice %arg3[%add3A, %dma_start3A, %dma_start3A_8] : memref<32x128x104xi32, #tpu.memory_space<hbm>> -> memref<1x128x104xi32, #tpu.memory_space<hbm>>
      %dma_start3A_10 = tpu.memref_squeeze %dma_start3A_9 : memref<1x128x104xi32, #tpu.memory_space<hbm>> -> memref<128x104xi32, #tpu.memory_space<hbm>>
      %dma_start3A_11 = arith.constant 0 : i32
      %dma_start3A_12 = arith.constant 0 : i32
      %dma_start3A_13 = tpu.memref_slice %arg3[%add3A, %dma_start3A_11, %dma_start3A_12] : memref<32x128x104xi32, #tpu.memory_space<hbm>> -> memref<1x128x104xi32, #tpu.memory_space<hbm>>
      %dma_start3A_14 = tpu.memref_squeeze %dma_start3A_13 : memref<1x128x104xi32, #tpu.memory_space<hbm>> -> memref<128x104xi32, #tpu.memory_space<hbm>>
      tpu.enqueue_dma source(%dma_start3A_14 : memref<128x104xi32, #tpu.memory_space<hbm>>) target(%arg5 : memref<128x104xi32, #tpu.memory_space<vmem>>) target_semaphore(%run_scoped3A : memref<!tpu.dma_semaphore, #tpu.memory_space<semaphore_mem>>)
      %dma_wait3A = arith.constant 0 : i32
      %dma_wait3A_15 = arith.constant 0 : i32
      %dma_wait3A_16 = tpu.memref_slice %arg3[%add3A, %dma_wait3A, %dma_wait3A_15] : memref<32x128x104xi32, #tpu.memory_space<hbm>> -> memref<1x128x104xi32, #tpu.memory_space<hbm>>
      %dma_wait3A_17 = tpu.memref_squeeze %dma_wait3A_16 : memref<1x128x104xi32, #tpu.memory_space<hbm>> -> memref<128x104xi32, #tpu.memory_space<hbm>>
      %dma_wait3A_18 = arith.constant 0 : i32
      %dma_wait3A_19 = arith.constant 0 : i32
      %dma_wait3A_20 = tpu.memref_slice %arg3[%add3A, %dma_wait3A_18, %dma_wait3A_19] : memref<32x128x104xi32, #tpu.memory_space<hbm>> -> memref<1x128x104xi32, #tpu.memory_space<hbm>>
      %dma_wait3A_21 = tpu.memref_squeeze %dma_wait3A_20 : memref<1x128x104xi32, #tpu.memory_space<hbm>> -> memref<128x104xi32, #tpu.memory_space<hbm>>
      tpu.wait_dma2 semaphore(%run_scoped3A : memref<!tpu.dma_semaphore, #tpu.memory_space<semaphore_mem>>) src(%dma_wait3A_21 : memref<128x104xi32, #tpu.memory_space<hbm>>) dst(%arg5 : memref<128x104xi32, #tpu.memory_space<vmem>>)
      tpu.yield
    }) : () -> ()
    %scan3A = arith.constant 0 : i32
    %scan3A_3 = arith.constant 0 : i32
    %scan3A_4 = arith.constant 16 : i32
    %scan3A_5 = arith.addi %scan3A_3, %scan3A_4 : i32
    %scan3A_6 = arith.constant 1 : i32
    scf.for %scan3A_8 = %scan3A_3 to %scan3A_5 step %scan3A_6  : i32 {
      %mul3A_9 = arith.constant 8 : i32
      %mul3A_10 = arith.muli %scan3A_8, %mul3A_9 : i32
      %add3A_11 = arith.constant 0 : i32
      %add3A_12 = arith.addi %mul3A_10, %add3A_11 : i32
      %dma_start3A = arith.constant 0 : i32
      %dma_start3A_13 = arith.constant 0 : i32
      %dma_start3A_14 = tpu.memref_slice %arg6[%dma_start3A, %dma_start3A_13] : memref<832x128xf32, #tpu.memory_space<vmem>> -> memref<104x128xf32, #tpu.memory_space<vmem>>
      %dma_start3A_15 = arith.constant 0 : i32
      %dma_start3A_16 = tpu.memref_slice %arg5[%add3A_12, %dma_start3A_15] : memref<128x104xi32, #tpu.memory_space<vmem>> -> memref<1x104xi32, #tpu.memory_space<vmem>>
      %dma_start3A_17 = tpu.memref_squeeze %dma_start3A_16 : memref<1x104xi32, #tpu.memory_space<vmem>> -> memref<104xi32, #tpu.memory_space<vmem>>
      %dma_start3A_18 = arith.constant 0 : i32
      %dma_start3A_19 = arith.constant 0 : i32
      %dma_start3A_20 = tpu.memref_slice %arg2[%dma_start3A_18, %dma_start3A_19] : memref<2609152x128xf32, #tpu.memory_space<hbm>> -> memref<2609152x128xf32, #tpu.memory_space<hbm>>
      tpu.enqueue_indirect_dma source(%dma_start3A_20 : memref<2609152x128xf32, #tpu.memory_space<hbm>>) target(%dma_start3A_14 : memref<104x128xf32, #tpu.memory_space<vmem>>) offsets(%dma_start3A_17 : memref<104xi32, #tpu.memory_space<vmem>>) semaphore(%arg7 : memref<!tpu.dma_semaphore, #tpu.memory_space<semaphore_mem>>)
      %mul3A_21 = arith.constant 8 : i32
      %mul3A_22 = arith.muli %scan3A_8, %mul3A_21 : i32
      %add3A_23 = arith.constant 1 : i32
      %add3A_24 = arith.addi %mul3A_22, %add3A_23 : i32
      %dma_start3A_25 = arith.constant 104 : i32
      %dma_start3A_26 = arith.constant 0 : i32
      %dma_start3A_27 = tpu.memref_slice %arg6[%dma_start3A_25, %dma_start3A_26] : memref<832x128xf32, #tpu.memory_space<vmem>> -> memref<104x128xf32, #tpu.memory_space<vmem>>
      %dma_start3A_28 = arith.constant 0 : i32
      %dma_start3A_29 = tpu.memref_slice %arg5[%add3A_24, %dma_start3A_28] : memref<128x104xi32, #tpu.memory_space<vmem>> -> memref<1x104xi32, #tpu.memory_space<vmem>>
      %dma_start3A_30 = tpu.memref_squeeze %dma_start3A_29 : memref<1x104xi32, #tpu.memory_space<vmem>> -> memref<104xi32, #tpu.memory_space<vmem>>
      %dma_start3A_31 = arith.constant 0 : i32
      %dma_start3A_32 = arith.constant 0 : i32
      %dma_start3A_33 = tpu.memref_slice %arg2[%dma_start3A_31, %dma_start3A_32] : memref<2609152x128xf32, #tpu.memory_space<hbm>> -> memref<2609152x128xf32, #tpu.memory_space<hbm>>
      tpu.enqueue_indirect_dma source(%dma_start3A_33 : memref<2609152x128xf32, #tpu.memory_space<hbm>>) target(%dma_start3A_27 : memref<104x128xf32, #tpu.memory_space<vmem>>) offsets(%dma_start3A_30 : memref<104xi32, #tpu.memory_space<vmem>>) semaphore(%arg7 : memref<!tpu.dma_semaphore, #tpu.memory_space<semaphore_mem>>)
      %mul3A_34 = arith.constant 8 : i32
      %mul3A_35 = arith.muli %scan3A_8, %mul3A_34 : i32
      %add3A_36 = arith.constant 2 : i32
      %add3A_37 = arith.addi %mul3A_35, %add3A_36 : i32
      %dma_start3A_38 = arith.constant 208 : i32
      %dma_start3A_39 = arith.constant 0 : i32
      %dma_start3A_40 = tpu.memref_slice %arg6[%dma_start3A_38, %dma_start3A_39] : memref<832x128xf32, #tpu.memory_space<vmem>> -> memref<104x128xf32, #tpu.memory_space<vmem>>
      %dma_start3A_41 = arith.constant 0 : i32
      %dma_start3A_42 = tpu.memref_slice %arg5[%add3A_37, %dma_start3A_41] : memref<128x104xi32, #tpu.memory_space<vmem>> -> memref<1x104xi32, #tpu.memory_space<vmem>>
      %dma_start3A_43 = tpu.memref_squeeze %dma_start3A_42 : memref<1x104xi32, #tpu.memory_space<vmem>> -> memref<104xi32, #tpu.memory_space<vmem>>
      %dma_start3A_44 = arith.constant 0 : i32
      %dma_start3A_45 = arith.constant 0 : i32
      %dma_start3A_46 = tpu.memref_slice %arg2[%dma_start3A_44, %dma_start3A_45] : memref<2609152x128xf32, #tpu.memory_space<hbm>> -> memref<2609152x128xf32, #tpu.memory_space<hbm>>
      tpu.enqueue_indirect_dma source(%dma_start3A_46 : memref<2609152x128xf32, #tpu.memory_space<hbm>>) target(%dma_start3A_40 : memref<104x128xf32, #tpu.memory_space<vmem>>) offsets(%dma_start3A_43 : memref<104xi32, #tpu.memory_space<vmem>>) semaphore(%arg7 : memref<!tpu.dma_semaphore, #tpu.memory_space<semaphore_mem>>)
      %mul3A_47 = arith.constant 8 : i32
      %mul3A_48 = arith.muli %scan3A_8, %mul3A_47 : i32
      %add3A_49 = arith.constant 3 : i32
      %add3A_50 = arith.addi %mul3A_48, %add3A_49 : i32
      %dma_start3A_51 = arith.constant 312 : i32
      %dma_start3A_52 = arith.constant 0 : i32
      %dma_start3A_53 = tpu.memref_slice %arg6[%dma_start3A_51, %dma_start3A_52] : memref<832x128xf32, #tpu.memory_space<vmem>> -> memref<104x128xf32, #tpu.memory_space<vmem>>
      %dma_start3A_54 = arith.constant 0 : i32
      %dma_start3A_55 = tpu.memref_slice %arg5[%add3A_50, %dma_start3A_54] : memref<128x104xi32, #tpu.memory_space<vmem>> -> memref<1x104xi32, #tpu.memory_space<vmem>>
      %dma_start3A_56 = tpu.memref_squeeze %dma_start3A_55 : memref<1x104xi32, #tpu.memory_space<vmem>> -> memref<104xi32, #tpu.memory_space<vmem>>
      %dma_start3A_57 = arith.constant 0 : i32
      %dma_start3A_58 = arith.constant 0 : i32
      %dma_start3A_59 = tpu.memref_slice %arg2[%dma_start3A_57, %dma_start3A_58] : memref<2609152x128xf32, #tpu.memory_space<hbm>> -> memref<2609152x128xf32, #tpu.memory_space<hbm>>
      tpu.enqueue_indirect_dma source(%dma_start3A_59 : memref<2609152x128xf32, #tpu.memory_space<hbm>>) target(%dma_start3A_53 : memref<104x128xf32, #tpu.memory_space<vmem>>) offsets(%dma_start3A_56 : memref<104xi32, #tpu.memory_space<vmem>>) semaphore(%arg7 : memref<!tpu.dma_semaphore, #tpu.memory_space<semaphore_mem>>)
      %mul3A_60 = arith.constant 8 : i32
      %mul3A_61 = arith.muli %scan3A_8, %mul3A_60 : i32
      %add3A_62 = arith.constant 4 : i32
      %add3A_63 = arith.addi %mul3A_61, %add3A_62 : i32
      %dma_start3A_64 = arith.constant 416 : i32
      %dma_start3A_65 = arith.constant 0 : i32
      %dma_start3A_66 = tpu.memref_slice %arg6[%dma_start3A_64, %dma_start3A_65] : memref<832x128xf32, #tpu.memory_space<vmem>> -> memref<104x128xf32, #tpu.memory_space<vmem>>
      %dma_start3A_67 = arith.constant 0 : i32
      %dma_start3A_68 = tpu.memref_slice %arg5[%add3A_63, %dma_start3A_67] : memref<128x104xi32, #tpu.memory_space<vmem>> -> memref<1x104xi32, #tpu.memory_space<vmem>>
      %dma_start3A_69 = tpu.memref_squeeze %dma_start3A_68 : memref<1x104xi32, #tpu.memory_space<vmem>> -> memref<104xi32, #tpu.memory_space<vmem>>
      %dma_start3A_70 = arith.constant 0 : i32
      %dma_start3A_71 = arith.constant 0 : i32
      %dma_start3A_72 = tpu.memref_slice %arg2[%dma_start3A_70, %dma_start3A_71] : memref<2609152x128xf32, #tpu.memory_space<hbm>> -> memref<2609152x128xf32, #tpu.memory_space<hbm>>
      tpu.enqueue_indirect_dma source(%dma_start3A_72 : memref<2609152x128xf32, #tpu.memory_space<hbm>>) target(%dma_start3A_66 : memref<104x128xf32, #tpu.memory_space<vmem>>) offsets(%dma_start3A_69 : memref<104xi32, #tpu.memory_space<vmem>>) semaphore(%arg7 : memref<!tpu.dma_semaphore, #tpu.memory_space<semaphore_mem>>)
      %mul3A_73 = arith.constant 8 : i32
      %mul3A_74 = arith.muli %scan3A_8, %mul3A_73 : i32
      %add3A_75 = arith.constant 5 : i32
      %add3A_76 = arith.addi %mul3A_74, %add3A_75 : i32
      %dma_start3A_77 = arith.constant 520 : i32
      %dma_start3A_78 = arith.constant 0 : i32
      %dma_start3A_79 = tpu.memref_slice %arg6[%dma_start3A_77, %dma_start3A_78] : memref<832x128xf32, #tpu.memory_space<vmem>> -> memref<104x128xf32, #tpu.memory_space<vmem>>
      %dma_start3A_80 = arith.constant 0 : i32
      %dma_start3A_81 = tpu.memref_slice %arg5[%add3A_76, %dma_start3A_80] : memref<128x104xi32, #tpu.memory_space<vmem>> -> memref<1x104xi32, #tpu.memory_space<vmem>>
      %dma_start3A_82 = tpu.memref_squeeze %dma_start3A_81 : memref<1x104xi32, #tpu.memory_space<vmem>> -> memref<104xi32, #tpu.memory_space<vmem>>
      %dma_start3A_83 = arith.constant 0 : i32
      %dma_start3A_84 = arith.constant 0 : i32
      %dma_start3A_85 = tpu.memref_slice %arg2[%dma_start3A_83, %dma_start3A_84] : memref<2609152x128xf32, #tpu.memory_space<hbm>> -> memref<2609152x128xf32, #tpu.memory_space<hbm>>
      tpu.enqueue_indirect_dma source(%dma_start3A_85 : memref<2609152x128xf32, #tpu.memory_space<hbm>>) target(%dma_start3A_79 : memref<104x128xf32, #tpu.memory_space<vmem>>) offsets(%dma_start3A_82 : memref<104xi32, #tpu.memory_space<vmem>>) semaphore(%arg7 : memref<!tpu.dma_semaphore, #tpu.memory_space<semaphore_mem>>)
      %mul3A_86 = arith.constant 8 : i32
      %mul3A_87 = arith.muli %scan3A_8, %mul3A_86 : i32
      %add3A_88 = arith.constant 6 : i32
      %add3A_89 = arith.addi %mul3A_87, %add3A_88 : i32
      %dma_start3A_90 = arith.constant 624 : i32
      %dma_start3A_91 = arith.constant 0 : i32
      %dma_start3A_92 = tpu.memref_slice %arg6[%dma_start3A_90, %dma_start3A_91] : memref<832x128xf32, #tpu.memory_space<vmem>> -> memref<104x128xf32, #tpu.memory_space<vmem>>
      %dma_start3A_93 = arith.constant 0 : i32
      %dma_start3A_94 = tpu.memref_slice %arg5[%add3A_89, %dma_start3A_93] : memref<128x104xi32, #tpu.memory_space<vmem>> -> memref<1x104xi32, #tpu.memory_space<vmem>>
      %dma_start3A_95 = tpu.memref_squeeze %dma_start3A_94 : memref<1x104xi32, #tpu.memory_space<vmem>> -> memref<104xi32, #tpu.memory_space<vmem>>
      %dma_start3A_96 = arith.constant 0 : i32
      %dma_start3A_97 = arith.constant 0 : i32
      %dma_start3A_98 = tpu.memref_slice %arg2[%dma_start3A_96, %dma_start3A_97] : memref<2609152x128xf32, #tpu.memory_space<hbm>> -> memref<2609152x128xf32, #tpu.memory_space<hbm>>
      tpu.enqueue_indirect_dma source(%dma_start3A_98 : memref<2609152x128xf32, #tpu.memory_space<hbm>>) target(%dma_start3A_92 : memref<104x128xf32, #tpu.memory_space<vmem>>) offsets(%dma_start3A_95 : memref<104xi32, #tpu.memory_space<vmem>>) semaphore(%arg7 : memref<!tpu.dma_semaphore, #tpu.memory_space<semaphore_mem>>)
      %mul3A_99 = arith.constant 8 : i32
      %mul3A_100 = arith.muli %scan3A_8, %mul3A_99 : i32
      %add3A_101 = arith.constant 7 : i32
      %add3A_102 = arith.addi %mul3A_100, %add3A_101 : i32
      %dma_start3A_103 = arith.constant 728 : i32
      %dma_start3A_104 = arith.constant 0 : i32
      %dma_start3A_105 = tpu.memref_slice %arg6[%dma_start3A_103, %dma_start3A_104] : memref<832x128xf32, #tpu.memory_space<vmem>> -> memref<104x128xf32, #tpu.memory_space<vmem>>
      %dma_start3A_106 = arith.constant 0 : i32
      %dma_start3A_107 = tpu.memref_slice %arg5[%add3A_102, %dma_start3A_106] : memref<128x104xi32, #tpu.memory_space<vmem>> -> memref<1x104xi32, #tpu.memory_space<vmem>>
      %dma_start3A_108 = tpu.memref_squeeze %dma_start3A_107 : memref<1x104xi32, #tpu.memory_space<vmem>> -> memref<104xi32, #tpu.memory_space<vmem>>
      %dma_start3A_109 = arith.constant 0 : i32
      %dma_start3A_110 = arith.constant 0 : i32
      %dma_start3A_111 = tpu.memref_slice %arg2[%dma_start3A_109, %dma_start3A_110] : memref<2609152x128xf32, #tpu.memory_space<hbm>> -> memref<2609152x128xf32, #tpu.memory_space<hbm>>
      tpu.enqueue_indirect_dma source(%dma_start3A_111 : memref<2609152x128xf32, #tpu.memory_space<hbm>>) target(%dma_start3A_105 : memref<104x128xf32, #tpu.memory_space<vmem>>) offsets(%dma_start3A_108 : memref<104xi32, #tpu.memory_space<vmem>>) semaphore(%arg7 : memref<!tpu.dma_semaphore, #tpu.memory_space<semaphore_mem>>)
      %dma_wait3A = arith.constant 0 : i32
      %dma_wait3A_112 = arith.constant 0 : i32
      %dma_wait3A_113 = tpu.memref_slice %arg6[%dma_wait3A, %dma_wait3A_112] : memref<832x128xf32, #tpu.memory_space<vmem>> -> memref<104x128xf32, #tpu.memory_space<vmem>>
      %dma_wait3A_114 = arith.constant 0 : i32
      %dma_wait3A_115 = tpu.memref_slice %arg5[%add3A_12, %dma_wait3A_114] : memref<128x104xi32, #tpu.memory_space<vmem>> -> memref<1x104xi32, #tpu.memory_space<vmem>>
      %dma_wait3A_116 = tpu.memref_squeeze %dma_wait3A_115 : memref<1x104xi32, #tpu.memory_space<vmem>> -> memref<104xi32, #tpu.memory_space<vmem>>
      %dma_wait3A_117 = arith.constant 0 : i32
      %dma_wait3A_118 = arith.constant 0 : i32
      %dma_wait3A_119 = tpu.memref_slice %arg2[%dma_wait3A_117, %dma_wait3A_118] : memref<2609152x128xf32, #tpu.memory_space<hbm>> -> memref<2609152x128xf32, #tpu.memory_space<hbm>>
      tpu.wait_indirect_dma semaphore(%arg7 : memref<!tpu.dma_semaphore, #tpu.memory_space<semaphore_mem>>) src(%dma_wait3A_119 : memref<2609152x128xf32, #tpu.memory_space<hbm>>) dst(%dma_wait3A_113 : memref<104x128xf32, #tpu.memory_space<vmem>>)
      %dma_wait3A_120 = arith.constant 104 : i32
      %dma_wait3A_121 = arith.constant 0 : i32
      %dma_wait3A_122 = tpu.memref_slice %arg6[%dma_wait3A_120, %dma_wait3A_121] : memref<832x128xf32, #tpu.memory_space<vmem>> -> memref<104x128xf32, #tpu.memory_space<vmem>>
      %dma_wait3A_123 = arith.constant 0 : i32
      %dma_wait3A_124 = tpu.memref_slice %arg5[%add3A_24, %dma_wait3A_123] : memref<128x104xi32, #tpu.memory_space<vmem>> -> memref<1x104xi32, #tpu.memory_space<vmem>>
      %dma_wait3A_125 = tpu.memref_squeeze %dma_wait3A_124 : memref<1x104xi32, #tpu.memory_space<vmem>> -> memref<104xi32, #tpu.memory_space<vmem>>
      %dma_wait3A_126 = arith.constant 0 : i32
      %dma_wait3A_127 = arith.constant 0 : i32
      %dma_wait3A_128 = tpu.memref_slice %arg2[%dma_wait3A_126, %dma_wait3A_127] : memref<2609152x128xf32, #tpu.memory_space<hbm>> -> memref<2609152x128xf32, #tpu.memory_space<hbm>>
      tpu.wait_indirect_dma semaphore(%arg7 : memref<!tpu.dma_semaphore, #tpu.memory_space<semaphore_mem>>) src(%dma_wait3A_128 : memref<2609152x128xf32, #tpu.memory_space<hbm>>) dst(%dma_wait3A_122 : memref<104x128xf32, #tpu.memory_space<vmem>>)
      %dma_wait3A_129 = arith.constant 208 : i32
      %dma_wait3A_130 = arith.constant 0 : i32
      %dma_wait3A_131 = tpu.memref_slice %arg6[%dma_wait3A_129, %dma_wait3A_130] : memref<832x128xf32, #tpu.memory_space<vmem>> -> memref<104x128xf32, #tpu.memory_space<vmem>>
      %dma_wait3A_132 = arith.constant 0 : i32
      %dma_wait3A_133 = tpu.memref_slice %arg5[%add3A_37, %dma_wait3A_132] : memref<128x104xi32, #tpu.memory_space<vmem>> -> memref<1x104xi32, #tpu.memory_space<vmem>>
      %dma_wait3A_134 = tpu.memref_squeeze %dma_wait3A_133 : memref<1x104xi32, #tpu.memory_space<vmem>> -> memref<104xi32, #tpu.memory_space<vmem>>
      %dma_wait3A_135 = arith.constant 0 : i32
      %dma_wait3A_136 = arith.constant 0 : i32
      %dma_wait3A_137 = tpu.memref_slice %arg2[%dma_wait3A_135, %dma_wait3A_136] : memref<2609152x128xf32, #tpu.memory_space<hbm>> -> memref<2609152x128xf32, #tpu.memory_space<hbm>>
      tpu.wait_indirect_dma semaphore(%arg7 : memref<!tpu.dma_semaphore, #tpu.memory_space<semaphore_mem>>) src(%dma_wait3A_137 : memref<2609152x128xf32, #tpu.memory_space<hbm>>) dst(%dma_wait3A_131 : memref<104x128xf32, #tpu.memory_space<vmem>>)
      %dma_wait3A_138 = arith.constant 312 : i32
      %dma_wait3A_139 = arith.constant 0 : i32
      %dma_wait3A_140 = tpu.memref_slice %arg6[%dma_wait3A_138, %dma_wait3A_139] : memref<832x128xf32, #tpu.memory_space<vmem>> -> memref<104x128xf32, #tpu.memory_space<vmem>>
      %dma_wait3A_141 = arith.constant 0 : i32
      %dma_wait3A_142 = tpu.memref_slice %arg5[%add3A_50, %dma_wait3A_141] : memref<128x104xi32, #tpu.memory_space<vmem>> -> memref<1x104xi32, #tpu.memory_space<vmem>>
      %dma_wait3A_143 = tpu.memref_squeeze %dma_wait3A_142 : memref<1x104xi32, #tpu.memory_space<vmem>> -> memref<104xi32, #tpu.memory_space<vmem>>
      %dma_wait3A_144 = arith.constant 0 : i32
      %dma_wait3A_145 = arith.constant 0 : i32
      %dma_wait3A_146 = tpu.memref_slice %arg2[%dma_wait3A_144, %dma_wait3A_145] : memref<2609152x128xf32, #tpu.memory_space<hbm>> -> memref<2609152x128xf32, #tpu.memory_space<hbm>>
      tpu.wait_indirect_dma semaphore(%arg7 : memref<!tpu.dma_semaphore, #tpu.memory_space<semaphore_mem>>) src(%dma_wait3A_146 : memref<2609152x128xf32, #tpu.memory_space<hbm>>) dst(%dma_wait3A_140 : memref<104x128xf32, #tpu.memory_space<vmem>>)
      %dma_wait3A_147 = arith.constant 416 : i32
      %dma_wait3A_148 = arith.constant 0 : i32
      %dma_wait3A_149 = tpu.memref_slice %arg6[%dma_wait3A_147, %dma_wait3A_148] : memref<832x128xf32, #tpu.memory_space<vmem>> -> memref<104x128xf32, #tpu.memory_space<vmem>>
      %dma_wait3A_150 = arith.constant 0 : i32
      %dma_wait3A_151 = tpu.memref_slice %arg5[%add3A_63, %dma_wait3A_150] : memref<128x104xi32, #tpu.memory_space<vmem>> -> memref<1x104xi32, #tpu.memory_space<vmem>>
      %dma_wait3A_152 = tpu.memref_squeeze %dma_wait3A_151 : memref<1x104xi32, #tpu.memory_space<vmem>> -> memref<104xi32, #tpu.memory_space<vmem>>
      %dma_wait3A_153 = arith.constant 0 : i32
      %dma_wait3A_154 = arith.constant 0 : i32
      %dma_wait3A_155 = tpu.memref_slice %arg2[%dma_wait3A_153, %dma_wait3A_154] : memref<2609152x128xf32, #tpu.memory_space<hbm>> -> memref<2609152x128xf32, #tpu.memory_space<hbm>>
      tpu.wait_indirect_dma semaphore(%arg7 : memref<!tpu.dma_semaphore, #tpu.memory_space<semaphore_mem>>) src(%dma_wait3A_155 : memref<2609152x128xf32, #tpu.memory_space<hbm>>) dst(%dma_wait3A_149 : memref<104x128xf32, #tpu.memory_space<vmem>>)
      %dma_wait3A_156 = arith.constant 520 : i32
      %dma_wait3A_157 = arith.constant 0 : i32
      %dma_wait3A_158 = tpu.memref_slice %arg6[%dma_wait3A_156, %dma_wait3A_157] : memref<832x128xf32, #tpu.memory_space<vmem>> -> memref<104x128xf32, #tpu.memory_space<vmem>>
      %dma_wait3A_159 = arith.constant 0 : i32
      %dma_wait3A_160 = tpu.memref_slice %arg5[%add3A_76, %dma_wait3A_159] : memref<128x104xi32, #tpu.memory_space<vmem>> -> memref<1x104xi32, #tpu.memory_space<vmem>>
      %dma_wait3A_161 = tpu.memref_squeeze %dma_wait3A_160 : memref<1x104xi32, #tpu.memory_space<vmem>> -> memref<104xi32, #tpu.memory_space<vmem>>
      %dma_wait3A_162 = arith.constant 0 : i32
      %dma_wait3A_163 = arith.constant 0 : i32
      %dma_wait3A_164 = tpu.memref_slice %arg2[%dma_wait3A_162, %dma_wait3A_163] : memref<2609152x128xf32, #tpu.memory_space<hbm>> -> memref<2609152x128xf32, #tpu.memory_space<hbm>>
      tpu.wait_indirect_dma semaphore(%arg7 : memref<!tpu.dma_semaphore, #tpu.memory_space<semaphore_mem>>) src(%dma_wait3A_164 : memref<2609152x128xf32, #tpu.memory_space<hbm>>) dst(%dma_wait3A_158 : memref<104x128xf32, #tpu.memory_space<vmem>>)
      %dma_wait3A_165 = arith.constant 624 : i32
      %dma_wait3A_166 = arith.constant 0 : i32
      %dma_wait3A_167 = tpu.memref_slice %arg6[%dma_wait3A_165, %dma_wait3A_166] : memref<832x128xf32, #tpu.memory_space<vmem>> -> memref<104x128xf32, #tpu.memory_space<vmem>>
      %dma_wait3A_168 = arith.constant 0 : i32
      %dma_wait3A_169 = tpu.memref_slice %arg5[%add3A_89, %dma_wait3A_168] : memref<128x104xi32, #tpu.memory_space<vmem>> -> memref<1x104xi32, #tpu.memory_space<vmem>>
      %dma_wait3A_170 = tpu.memref_squeeze %dma_wait3A_169 : memref<1x104xi32, #tpu.memory_space<vmem>> -> memref<104xi32, #tpu.memory_space<vmem>>
      %dma_wait3A_171 = arith.constant 0 : i32
      %dma_wait3A_172 = arith.constant 0 : i32
      %dma_wait3A_173 = tpu.memref_slice %arg2[%dma_wait3A_171, %dma_wait3A_172] : memref<2609152x128xf32, #tpu.memory_space<hbm>> -> memref<2609152x128xf32, #tpu.memory_space<hbm>>
      tpu.wait_indirect_dma semaphore(%arg7 : memref<!tpu.dma_semaphore, #tpu.memory_space<semaphore_mem>>) src(%dma_wait3A_173 : memref<2609152x128xf32, #tpu.memory_space<hbm>>) dst(%dma_wait3A_167 : memref<104x128xf32, #tpu.memory_space<vmem>>)
      %dma_wait3A_174 = arith.constant 728 : i32
      %dma_wait3A_175 = arith.constant 0 : i32
      %dma_wait3A_176 = tpu.memref_slice %arg6[%dma_wait3A_174, %dma_wait3A_175] : memref<832x128xf32, #tpu.memory_space<vmem>> -> memref<104x128xf32, #tpu.memory_space<vmem>>
      %dma_wait3A_177 = arith.constant 0 : i32
      %dma_wait3A_178 = tpu.memref_slice %arg5[%add3A_102, %dma_wait3A_177] : memref<128x104xi32, #tpu.memory_space<vmem>> -> memref<1x104xi32, #tpu.memory_space<vmem>>
      %dma_wait3A_179 = tpu.memref_squeeze %dma_wait3A_178 : memref<1x104xi32, #tpu.memory_space<vmem>> -> memref<104xi32, #tpu.memory_space<vmem>>
      %dma_wait3A_180 = arith.constant 0 : i32
      %dma_wait3A_181 = arith.constant 0 : i32
      %dma_wait3A_182 = tpu.memref_slice %arg2[%dma_wait3A_180, %dma_wait3A_181] : memref<2609152x128xf32, #tpu.memory_space<hbm>> -> memref<2609152x128xf32, #tpu.memory_space<hbm>>
      tpu.wait_indirect_dma semaphore(%arg7 : memref<!tpu.dma_semaphore, #tpu.memory_space<semaphore_mem>>) src(%dma_wait3A_182 : memref<2609152x128xf32, #tpu.memory_space<hbm>>) dst(%dma_wait3A_176 : memref<104x128xf32, #tpu.memory_space<vmem>>)
      %mul3A_183 = arith.constant 832 : i32
      %mul3A_184 = arith.muli %scan3A_8, %mul3A_183 : i32
      %add3A_185 = arith.addi %mul3A_2, %mul3A_184 : i32
      "tpu.region"() ({
        %run_scoped3A = tpu.sem_alloc : memref<!tpu.dma_semaphore, #tpu.memory_space<semaphore_mem>>
        %dma_start3A_186 = arith.constant 0 : i32
        %dma_start3A_187 = tpu.memref_slice %arg4[%add3A_185, %dma_start3A_186] : memref<425984x128xf32, #tpu.memory_space<hbm>> -> memref<832x128xf32, #tpu.memory_space<hbm>>
        %dma_start3A_188 = arith.constant 0 : i32
        %dma_start3A_189 = tpu.memref_slice %arg4[%add3A_185, %dma_start3A_188] : memref<425984x128xf32, #tpu.memory_space<hbm>> -> memref<832x128xf32, #tpu.memory_space<hbm>>
        tpu.enqueue_dma source(%arg6 : memref<832x128xf32, #tpu.memory_space<vmem>>) target(%dma_start3A_189 : memref<832x128xf32, #tpu.memory_space<hbm>>) target_semaphore(%run_scoped3A : memref<!tpu.dma_semaphore, #tpu.memory_space<semaphore_mem>>)
        %dma_wait3A_190 = arith.constant 0 : i32
        %dma_wait3A_191 = tpu.memref_slice %arg4[%add3A_185, %dma_wait3A_190] : memref<425984x128xf32, #tpu.memory_space<hbm>> -> memref<832x128xf32, #tpu.memory_space<hbm>>
        %dma_wait3A_192 = arith.constant 0 : i32
        %dma_wait3A_193 = tpu.memref_slice %arg4[%add3A_185, %dma_wait3A_192] : memref<425984x128xf32, #tpu.memory_space<hbm>> -> memref<832x128xf32, #tpu.memory_space<hbm>>
        tpu.wait_dma2 semaphore(%run_scoped3A : memref<!tpu.dma_semaphore, #tpu.memory_space<semaphore_mem>>) src(%arg6 : memref<832x128xf32, #tpu.memory_space<vmem>>) dst(%dma_wait3A_193 : memref<832x128xf32, #tpu.memory_space<hbm>>)
        tpu.yield
      }) : () -> ()
    }
    %scan3A_7 = arith.constant 16 : i32
    return
  }
}

module attributes {stable_mosaic.version = 14 : i64} {
  func.func @_pad_body(%arg0: i32, %arg1: i32, %arg2: memref<1x32x25088xf32, #tpu.memory_space<vmem>>, %arg3: memref<32x128xf32, #tpu.memory_space<vmem>>, %arg4: memref<1x25088x128xf32, #tpu.memory_space<vmem>>) attributes {dimension_semantics = [#tpu.dimension_semantics<arbitrary>, #tpu.dimension_semantics<arbitrary>], iteration_bounds = array<i64: 26, 4>, scalar_prefetch = 0 : i64, scratch_operands = 0 : i64, tpu.core_type = #tpu.core_type<tc>, window_params = [{transform_indices = @transform_0, window_bounds = array<i64: 1, 32, 25088>}, {pipeline_mode = #tpu.pipeline_mode<synchronous>, transform_indices = @transform_1, window_bounds = array<i64: 32, 128>}, {transform_indices = @transform_2, window_bounds = array<i64: 1, 25088, 128>}]} {
    %get3A = arith.constant 0 : index
    %get3A_0 = arith.constant 0 : index
    %get3A_1 = arith.constant 0 : index
    %get3A_2 = vector.load %arg2[%get3A, %get3A_0, %get3A_1] : memref<1x32x25088xf32, #tpu.memory_space<vmem>>, vector<1x32x25088xf32>
    %get3A_3 = vector.shape_cast %get3A_2 : vector<1x32x25088xf32> to vector<32x25088xf32>
    %get3A_4 = arith.constant 0 : index
    %get3A_5 = arith.constant 0 : index
    %get3A_6 = vector.load %arg3[%get3A_4, %get3A_5] : memref<32x128xf32, #tpu.memory_space<vmem>>, vector<32x128xf32>
    %dot_general3A = arith.constant dense<0.000000e+00> : vector<25088x128xf32>
    %dot_general3A_7 = tpu.matmul %get3A_3, %get3A_6, %dot_general3A {dimension_numbers = #tpu.dot_dimension_numbers<[0], [0], [1], [1], [0, 1, 1, 1], [], []>, transpose_lhs_hint = false} : vector<32x25088xf32>, vector<32x128xf32>, vector<25088x128xf32> -> vector<25088x128xf32>
    %swap3A = arith.constant 0 : index
    %swap3A_8 = arith.constant 0 : index
    %swap3A_9 = arith.constant 0 : index
    %swap3A_10 = vector.load %arg4[%swap3A, %swap3A_8, %swap3A_9] : memref<1x25088x128xf32, #tpu.memory_space<vmem>>, vector<1x25088x128xf32>
    %swap3A_11 = vector.shape_cast %swap3A_10 : vector<1x25088x128xf32> to vector<25088x128xf32>
    %swap3A_12 = vector.shape_cast %dot_general3A_7 : vector<25088x128xf32> to vector<1x25088x128xf32>
    tpu.vector_store %arg4[%swap3A, %swap3A_8, %swap3A_9], %swap3A_12 {strides = array<i32>} : memref<1x25088x128xf32, #tpu.memory_space<vmem>>, vector<1x25088x128xf32>,
    return
  }
  func.func @transform_0(%arg0: i32, %arg1: i32) -> (i32, i32, i32) {
    %c0_i32 = arith.constant 0 : i32
    %c0_i32_0 = arith.constant 0 : i32
    return %arg0, %c0_i32, %arg1 : i32, i32, i32
  }
  func.func @transform_1(%arg0: i32, %arg1: i32) -> (i32, i32) {
    %c0_i32 = arith.constant 0 : i32
    %c0_i32_0 = arith.constant 0 : i32
    %c0_i32_1 = arith.constant 0 : i32
    return %c0_i32, %c0_i32_0 : i32, i32
  }
  func.func @transform_2(%arg0: i32, %arg1: i32) -> (i32, i32, i32) {
    %c0_i32 = arith.constant 0 : i32
    %c0_i32_0 = arith.constant 0 : i32
    return %arg0, %arg1, %c0_i32 : i32, i32, i32
  }
}

module attributes {stable_mosaic.version = 14 : i64} {
  func.func @_mlp_body(%arg0: i32, %arg1: memref<512x13xf32, #tpu.memory_space<vmem>>, %arg2: memref<26x512x128xf32, #tpu.memory_space<vmem>>, %arg3: memref<13x256xf32, #tpu.memory_space<vmem>>, %arg4: memref<832x256xf32, #tpu.memory_space<vmem>>, %arg5: memref<1x256xf32, #tpu.memory_space<vmem>>, %arg6: memref<1x256xf32, #tpu.memory_space<vmem>>, %arg7: memref<1x256xf32, #tpu.memory_space<vmem>>, %arg8: memref<256x256xf32, #tpu.memory_space<vmem>>, %arg9: memref<1x256xf32, #tpu.memory_space<vmem>>, %arg10: memref<1x256xf32, #tpu.memory_space<vmem>>, %arg11: memref<1x256xf32, #tpu.memory_space<vmem>>, %arg12: memref<256x256xf32, #tpu.memory_space<vmem>>, %arg13: memref<1x256xf32, #tpu.memory_space<vmem>>, %arg14: memref<1x256xf32, #tpu.memory_space<vmem>>, %arg15: memref<1x256xf32, #tpu.memory_space<vmem>>, %arg16: memref<256x7xf32, #tpu.memory_space<vmem>>, %arg17: memref<1x7xf32, #tpu.memory_space<vmem>>, %arg18: memref<16384x7xf32, #tpu.memory_space<vmem>>, %arg19: memref<16384x256xf32, #tpu.memory_space<vmem>>, %arg20: memref<2x256xf32, #tpu.memory_space<vmem>>, %arg21: memref<512x832xf32, #tpu.memory_space<vmem>>) attributes {dimension_semantics = [#tpu.dimension_semantics<arbitrary>], iteration_bounds = array<i64: 35>, scalar_prefetch = 0 : i64, scratch_operands = 3 : i64, tpu.core_type = #tpu.core_type<tc>, window_params = [{transform_indices = @transform_0, window_bounds = array<i64: 512, 13>}, {transform_indices = @transform_1, window_bounds = array<i64: 26, 512, 128>}, {pipeline_mode = #tpu.pipeline_mode<synchronous>, transform_indices = @transform_2, window_bounds = array<i64: 13, 256>}, {pipeline_mode = #tpu.pipeline_mode<synchronous>, transform_indices = @transform_3, window_bounds = array<i64: 832, 256>}, {pipeline_mode = #tpu.pipeline_mode<synchronous>, transform_indices = @transform_4, window_bounds = array<i64: 1, 256>}, {pipeline_mode = #tpu.pipeline_mode<synchronous>, transform_indices = @transform_5, window_bounds = array<i64: 1, 256>}, {pipeline_mode = #tpu.pipeline_mode<synchronous>, transform_indices = @transform_6, window_bounds = array<i64: 1, 256>}, {pipeline_mode = #tpu.pipeline_mode<synchronous>, transform_indices = @transform_7, window_bounds = array<i64: 256, 256>}, {pipeline_mode = #tpu.pipeline_mode<synchronous>, transform_indices = @transform_8, window_bounds = array<i64: 1, 256>}, {pipeline_mode = #tpu.pipeline_mode<synchronous>, transform_indices = @transform_9, window_bounds = array<i64: 1, 256>}, {pipeline_mode = #tpu.pipeline_mode<synchronous>, transform_indices = @transform_10, window_bounds = array<i64: 1, 256>}, {pipeline_mode = #tpu.pipeline_mode<synchronous>, transform_indices = @transform_11, window_bounds = array<i64: 256, 256>}, {pipeline_mode = #tpu.pipeline_mode<synchronous>, transform_indices = @transform_12, window_bounds = array<i64: 1, 256>}, {pipeline_mode = #tpu.pipeline_mode<synchronous>, transform_indices = @transform_13, window_bounds = array<i64: 1, 256>}, {pipeline_mode = #tpu.pipeline_mode<synchronous>, transform_indices = @transform_14, window_bounds = array<i64: 1, 256>}, {pipeline_mode = #tpu.pipeline_mode<synchronous>, transform_indices = @transform_15, window_bounds = array<i64: 256, 7>}, {pipeline_mode = #tpu.pipeline_mode<synchronous>, transform_indices = @transform_16, window_bounds = array<i64: 1, 7>}, {pipeline_mode = #tpu.pipeline_mode<synchronous>, transform_indices = @transform_17, window_bounds = array<i64: 16384, 7>}]} {
    %lt3A = arith.constant 32 : i32
    %lt3A_0 = arith.cmpi slt, %arg0, %lt3A : i32
    %convert_element_type3A = arith.extui %lt3A_0 : i1 to i32
    %cond3A = arith.constant 0 : i32
    %cond3A_1 = arith.cmpi ne, %convert_element_type3A, %cond3A : i32
    scf.if %cond3A_1 {
      %eq3A_16 = arith.constant 0 : i32
      %eq3A_17 = arith.cmpi eq, %arg0, %eq3A_16 : i32
      %convert_element_type3A_18 = arith.extui %eq3A_17 : i1 to i32
      %cond3A_19 = arith.constant 0 : i32
      %cond3A_20 = arith.cmpi ne, %convert_element_type3A_18, %cond3A_19 : i32
      scf.if %cond3A_20 {
        %broadcast_in_dim3A_270 = arith.constant 0.000000e+00 : f32
        %broadcast_in_dim3A_271 = vector.broadcast %broadcast_in_dim3A_270 : f32 to vector<2x256xf32>
        %swap3A_272 = arith.constant 0 : index
        %swap3A_273 = arith.constant 0 : index
        %swap3A_274 = vector.load %arg20[%swap3A_272, %swap3A_273] : memref<2x256xf32, #tpu.memory_space<vmem>>, vector<2x256xf32>
        tpu.vector_store %arg20[%swap3A_272, %swap3A_273], %broadcast_in_dim3A_271 {strides = array<i32>} : memref<2x256xf32, #tpu.memory_space<vmem>>, vector<2x256xf32>,
      } else {
      }
      %get3A = arith.constant 0 : index
      %get3A_21 = arith.constant 0 : index
      %get3A_22 = arith.constant 0 : index
      %get3A_23 = vector.load %arg2[%get3A, %get3A_21, %get3A_22] : memref<26x512x128xf32, #tpu.memory_space<vmem>>, vector<1x512x32xf32>
      %get3A_24 = vector.shape_cast %get3A_23 : vector<1x512x32xf32> to vector<512x32xf32>
      %swap3A = arith.constant 0 : index
      %swap3A_25 = arith.constant 0 : index
      %swap3A_26 = vector.load %arg21[%swap3A, %swap3A_25] : memref<512x832xf32, #tpu.memory_space<vmem>>, vector<512x32xf32>
      tpu.vector_store %arg21[%swap3A, %swap3A_25], %get3A_24 {strides = array<i32>} : memref<512x832xf32, #tpu.memory_space<vmem>>, vector<512x32xf32>,
      %get3A_27 = arith.constant 1 : index
      %get3A_28 = arith.constant 0 : index
      %get3A_29 = arith.constant 0 : index
      %get3A_30 = vector.load %arg2[%get3A_27, %get3A_28, %get3A_29] : memref<26x512x128xf32, #tpu.memory_space<vmem>>, vector<1x512x32xf32>
      %get3A_31 = vector.shape_cast %get3A_30 : vector<1x512x32xf32> to vector<512x32xf32>
      %swap3A_32 = arith.constant 0 : index
      %swap3A_33 = arith.constant 32 : index
      %swap3A_34 = vector.load %arg21[%swap3A_32, %swap3A_33] : memref<512x832xf32, #tpu.memory_space<vmem>>, vector<512x32xf32>
      tpu.vector_store %arg21[%swap3A_32, %swap3A_33], %get3A_31 {strides = array<i32>} : memref<512x832xf32, #tpu.memory_space<vmem>>, vector<512x32xf32>,
      %get3A_35 = arith.constant 2 : index
      %get3A_36 = arith.constant 0 : index
      %get3A_37 = arith.constant 0 : index
      %get3A_38 = vector.load %arg2[%get3A_35, %get3A_36, %get3A_37] : memref<26x512x128xf32, #tpu.memory_space<vmem>>, vector<1x512x32xf32>
      %get3A_39 = vector.shape_cast %get3A_38 : vector<1x512x32xf32> to vector<512x32xf32>
      %swap3A_40 = arith.constant 0 : index
      %swap3A_41 = arith.constant 64 : index
      %swap3A_42 = vector.load %arg21[%swap3A_40, %swap3A_41] : memref<512x832xf32, #tpu.memory_space<vmem>>, vector<512x32xf32>
      tpu.vector_store %arg21[%swap3A_40, %swap3A_41], %get3A_39 {strides = array<i32>} : memref<512x832xf32, #tpu.memory_space<vmem>>, vector<512x32xf32>,
      %get3A_43 = arith.constant 3 : index
      %get3A_44 = arith.constant 0 : index
      %get3A_45 = arith.constant 0 : index
      %get3A_46 = vector.load %arg2[%get3A_43, %get3A_44, %get3A_45] : memref<26x512x128xf32, #tpu.memory_space<vmem>>, vector<1x512x32xf32>
      %get3A_47 = vector.shape_cast %get3A_46 : vector<1x512x32xf32> to vector<512x32xf32>
      %swap3A_48 = arith.constant 0 : index
      %swap3A_49 = arith.constant 96 : index
      %swap3A_50 = vector.load %arg21[%swap3A_48, %swap3A_49] : memref<512x832xf32, #tpu.memory_space<vmem>>, vector<512x32xf32>
      tpu.vector_store %arg21[%swap3A_48, %swap3A_49], %get3A_47 {strides = array<i32>} : memref<512x832xf32, #tpu.memory_space<vmem>>, vector<512x32xf32>,
      %get3A_51 = arith.constant 4 : index
      %get3A_52 = arith.constant 0 : index
      %get3A_53 = arith.constant 0 : index
      %get3A_54 = vector.load %arg2[%get3A_51, %get3A_52, %get3A_53] : memref<26x512x128xf32, #tpu.memory_space<vmem>>, vector<1x512x32xf32>
      %get3A_55 = vector.shape_cast %get3A_54 : vector<1x512x32xf32> to vector<512x32xf32>
      %swap3A_56 = arith.constant 0 : index
      %swap3A_57 = arith.constant 128 : index
      %swap3A_58 = vector.load %arg21[%swap3A_56, %swap3A_57] : memref<512x832xf32, #tpu.memory_space<vmem>>, vector<512x32xf32>
      tpu.vector_store %arg21[%swap3A_56, %swap3A_57], %get3A_55 {strides = array<i32>} : memref<512x832xf32, #tpu.memory_space<vmem>>, vector<512x32xf32>,
      %get3A_59 = arith.constant 5 : index
      %get3A_60 = arith.constant 0 : index
      %get3A_61 = arith.constant 0 : index
      %get3A_62 = vector.load %arg2[%get3A_59, %get3A_60, %get3A_61] : memref<26x512x128xf32, #tpu.memory_space<vmem>>, vector<1x512x32xf32>
      %get3A_63 = vector.shape_cast %get3A_62 : vector<1x512x32xf32> to vector<512x32xf32>
      %swap3A_64 = arith.constant 0 : index
      %swap3A_65 = arith.constant 160 : index
      %swap3A_66 = vector.load %arg21[%swap3A_64, %swap3A_65] : memref<512x832xf32, #tpu.memory_space<vmem>>, vector<512x32xf32>
      tpu.vector_store %arg21[%swap3A_64, %swap3A_65], %get3A_63 {strides = array<i32>} : memref<512x832xf32, #tpu.memory_space<vmem>>, vector<512x32xf32>,
      %get3A_67 = arith.constant 6 : index
      %get3A_68 = arith.constant 0 : index
      %get3A_69 = arith.constant 0 : index
      %get3A_70 = vector.load %arg2[%get3A_67, %get3A_68, %get3A_69] : memref<26x512x128xf32, #tpu.memory_space<vmem>>, vector<1x512x32xf32>
      %get3A_71 = vector.shape_cast %get3A_70 : vector<1x512x32xf32> to vector<512x32xf32>
      %swap3A_72 = arith.constant 0 : index
      %swap3A_73 = arith.constant 192 : index
      %swap3A_74 = vector.load %arg21[%swap3A_72, %swap3A_73] : memref<512x832xf32, #tpu.memory_space<vmem>>, vector<512x32xf32>
      tpu.vector_store %arg21[%swap3A_72, %swap3A_73], %get3A_71 {strides = array<i32>} : memref<512x832xf32, #tpu.memory_space<vmem>>, vector<512x32xf32>,
      %get3A_75 = arith.constant 7 : index
      %get3A_76 = arith.constant 0 : index
      %get3A_77 = arith.constant 0 : index
      %get3A_78 = vector.load %arg2[%get3A_75, %get3A_76, %get3A_77] : memref<26x512x128xf32, #tpu.memory_space<vmem>>, vector<1x512x32xf32>
      %get3A_79 = vector.shape_cast %get3A_78 : vector<1x512x32xf32> to vector<512x32xf32>
      %swap3A_80 = arith.constant 0 : index
      %swap3A_81 = arith.constant 224 : index
      %swap3A_82 = vector.load %arg21[%swap3A_80, %swap3A_81] : memref<512x832xf32, #tpu.memory_space<vmem>>, vector<512x32xf32>
      tpu.vector_store %arg21[%swap3A_80, %swap3A_81], %get3A_79 {strides = array<i32>} : memref<512x832xf32, #tpu.memory_space<vmem>>, vector<512x32xf32>,
      %get3A_83 = arith.constant 8 : index
      %get3A_84 = arith.constant 0 : index
      %get3A_85 = arith.constant 0 : index
      %get3A_86 = vector.load %arg2[%get3A_83, %get3A_84, %get3A_85] : memref<26x512x128xf32, #tpu.memory_space<vmem>>, vector<1x512x32xf32>
      %get3A_87 = vector.shape_cast %get3A_86 : vector<1x512x32xf32> to vector<512x32xf32>
      %swap3A_88 = arith.constant 0 : index
      %swap3A_89 = arith.constant 256 : index
      %swap3A_90 = vector.load %arg21[%swap3A_88, %swap3A_89] : memref<512x832xf32, #tpu.memory_space<vmem>>, vector<512x32xf32>
      tpu.vector_store %arg21[%swap3A_88, %swap3A_89], %get3A_87 {strides = array<i32>} : memref<512x832xf32, #tpu.memory_space<vmem>>, vector<512x32xf32>,
      %get3A_91 = arith.constant 9 : index
      %get3A_92 = arith.constant 0 : index
      %get3A_93 = arith.constant 0 : index
      %get3A_94 = vector.load %arg2[%get3A_91, %get3A_92, %get3A_93] : memref<26x512x128xf32, #tpu.memory_space<vmem>>, vector<1x512x32xf32>
      %get3A_95 = vector.shape_cast %get3A_94 : vector<1x512x32xf32> to vector<512x32xf32>
      %swap3A_96 = arith.constant 0 : index
      %swap3A_97 = arith.constant 288 : index
      %swap3A_98 = vector.load %arg21[%swap3A_96, %swap3A_97] : memref<512x832xf32, #tpu.memory_space<vmem>>, vector<512x32xf32>
      tpu.vector_store %arg21[%swap3A_96, %swap3A_97], %get3A_95 {strides = array<i32>} : memref<512x832xf32, #tpu.memory_space<vmem>>, vector<512x32xf32>,
      %get3A_99 = arith.constant 10 : index
      %get3A_100 = arith.constant 0 : index
      %get3A_101 = arith.constant 0 : index
      %get3A_102 = vector.load %arg2[%get3A_99, %get3A_100, %get3A_101] : memref<26x512x128xf32, #tpu.memory_space<vmem>>, vector<1x512x32xf32>
      %get3A_103 = vector.shape_cast %get3A_102 : vector<1x512x32xf32> to vector<512x32xf32>
      %swap3A_104 = arith.constant 0 : index
      %swap3A_105 = arith.constant 320 : index
      %swap3A_106 = vector.load %arg21[%swap3A_104, %swap3A_105] : memref<512x832xf32, #tpu.memory_space<vmem>>, vector<512x32xf32>
      tpu.vector_store %arg21[%swap3A_104, %swap3A_105], %get3A_103 {strides = array<i32>} : memref<512x832xf32, #tpu.memory_space<vmem>>, vector<512x32xf32>,
      %get3A_107 = arith.constant 11 : index
      %get3A_108 = arith.constant 0 : index
      %get3A_109 = arith.constant 0 : index
      %get3A_110 = vector.load %arg2[%get3A_107, %get3A_108, %get3A_109] : memref<26x512x128xf32, #tpu.memory_space<vmem>>, vector<1x512x32xf32>
      %get3A_111 = vector.shape_cast %get3A_110 : vector<1x512x32xf32> to vector<512x32xf32>
      %swap3A_112 = arith.constant 0 : index
      %swap3A_113 = arith.constant 352 : index
      %swap3A_114 = vector.load %arg21[%swap3A_112, %swap3A_113] : memref<512x832xf32, #tpu.memory_space<vmem>>, vector<512x32xf32>
      tpu.vector_store %arg21[%swap3A_112, %swap3A_113], %get3A_111 {strides = array<i32>} : memref<512x832xf32, #tpu.memory_space<vmem>>, vector<512x32xf32>,
      %get3A_115 = arith.constant 12 : index
      %get3A_116 = arith.constant 0 : index
      %get3A_117 = arith.constant 0 : index
      %get3A_118 = vector.load %arg2[%get3A_115, %get3A_116, %get3A_117] : memref<26x512x128xf32, #tpu.memory_space<vmem>>, vector<1x512x32xf32>
      %get3A_119 = vector.shape_cast %get3A_118 : vector<1x512x32xf32> to vector<512x32xf32>
      %swap3A_120 = arith.constant 0 : index
      %swap3A_121 = arith.constant 384 : index
      %swap3A_122 = vector.load %arg21[%swap3A_120, %swap3A_121] : memref<512x832xf32, #tpu.memory_space<vmem>>, vector<512x32xf32>
      tpu.vector_store %arg21[%swap3A_120, %swap3A_121], %get3A_119 {strides = array<i32>} : memref<512x832xf32, #tpu.memory_space<vmem>>, vector<512x32xf32>,
      %get3A_123 = arith.constant 13 : index
      %get3A_124 = arith.constant 0 : index
      %get3A_125 = arith.constant 0 : index
      %get3A_126 = vector.load %arg2[%get3A_123, %get3A_124, %get3A_125] : memref<26x512x128xf32, #tpu.memory_space<vmem>>, vector<1x512x32xf32>
      %get3A_127 = vector.shape_cast %get3A_126 : vector<1x512x32xf32> to vector<512x32xf32>
      %swap3A_128 = arith.constant 0 : index
      %swap3A_129 = arith.constant 416 : index
      %swap3A_130 = vector.load %arg21[%swap3A_128, %swap3A_129] : memref<512x832xf32, #tpu.memory_space<vmem>>, vector<512x32xf32>
      tpu.vector_store %arg21[%swap3A_128, %swap3A_129], %get3A_127 {strides = array<i32>} : memref<512x832xf32, #tpu.memory_space<vmem>>, vector<512x32xf32>,
      %get3A_131 = arith.constant 14 : index
      %get3A_132 = arith.constant 0 : index
      %get3A_133 = arith.constant 0 : index
      %get3A_134 = vector.load %arg2[%get3A_131, %get3A_132, %get3A_133] : memref<26x512x128xf32, #tpu.memory_space<vmem>>, vector<1x512x32xf32>
      %get3A_135 = vector.shape_cast %get3A_134 : vector<1x512x32xf32> to vector<512x32xf32>
      %swap3A_136 = arith.constant 0 : index
      %swap3A_137 = arith.constant 448 : index
      %swap3A_138 = vector.load %arg21[%swap3A_136, %swap3A_137] : memref<512x832xf32, #tpu.memory_space<vmem>>, vector<512x32xf32>
      tpu.vector_store %arg21[%swap3A_136, %swap3A_137], %get3A_135 {strides = array<i32>} : memref<512x832xf32, #tpu.memory_space<vmem>>, vector<512x32xf32>,
      %get3A_139 = arith.constant 15 : index
      %get3A_140 = arith.constant 0 : index
      %get3A_141 = arith.constant 0 : index
      %get3A_142 = vector.load %arg2[%get3A_139, %get3A_140, %get3A_141] : memref<26x512x128xf32, #tpu.memory_space<vmem>>, vector<1x512x32xf32>
      %get3A_143 = vector.shape_cast %get3A_142 : vector<1x512x32xf32> to vector<512x32xf32>
      %swap3A_144 = arith.constant 0 : index
      %swap3A_145 = arith.constant 480 : index
      %swap3A_146 = vector.load %arg21[%swap3A_144, %swap3A_145] : memref<512x832xf32, #tpu.memory_space<vmem>>, vector<512x32xf32>
      tpu.vector_store %arg21[%swap3A_144, %swap3A_145], %get3A_143 {strides = array<i32>} : memref<512x832xf32, #tpu.memory_space<vmem>>, vector<512x32xf32>,
      %get3A_147 = arith.constant 16 : index
      %get3A_148 = arith.constant 0 : index
      %get3A_149 = arith.constant 0 : index
      %get3A_150 = vector.load %arg2[%get3A_147, %get3A_148, %get3A_149] : memref<26x512x128xf32, #tpu.memory_space<vmem>>, vector<1x512x32xf32>
      %get3A_151 = vector.shape_cast %get3A_150 : vector<1x512x32xf32> to vector<512x32xf32>
      %swap3A_152 = arith.constant 0 : index
      %swap3A_153 = arith.constant 512 : index
      %swap3A_154 = vector.load %arg21[%swap3A_152, %swap3A_153] : memref<512x832xf32, #tpu.memory_space<vmem>>, vector<512x32xf32>
      tpu.vector_store %arg21[%swap3A_152, %swap3A_153], %get3A_151 {strides = array<i32>} : memref<512x832xf32, #tpu.memory_space<vmem>>, vector<512x32xf32>,
      %get3A_155 = arith.constant 17 : index
      %get3A_156 = arith.constant 0 : index
      %get3A_157 = arith.constant 0 : index
      %get3A_158 = vector.load %arg2[%get3A_155, %get3A_156, %get3A_157] : memref<26x512x128xf32, #tpu.memory_space<vmem>>, vector<1x512x32xf32>
      %get3A_159 = vector.shape_cast %get3A_158 : vector<1x512x32xf32> to vector<512x32xf32>
      %swap3A_160 = arith.constant 0 : index
      %swap3A_161 = arith.constant 544 : index
      %swap3A_162 = vector.load %arg21[%swap3A_160, %swap3A_161] : memref<512x832xf32, #tpu.memory_space<vmem>>, vector<512x32xf32>
      tpu.vector_store %arg21[%swap3A_160, %swap3A_161], %get3A_159 {strides = array<i32>} : memref<512x832xf32, #tpu.memory_space<vmem>>, vector<512x32xf32>,
      %get3A_163 = arith.constant 18 : index
      %get3A_164 = arith.constant 0 : index
      %get3A_165 = arith.constant 0 : index
      %get3A_166 = vector.load %arg2[%get3A_163, %get3A_164, %get3A_165] : memref<26x512x128xf32, #tpu.memory_space<vmem>>, vector<1x512x32xf32>
      %get3A_167 = vector.shape_cast %get3A_166 : vector<1x512x32xf32> to vector<512x32xf32>
      %swap3A_168 = arith.constant 0 : index
      %swap3A_169 = arith.constant 576 : index
      %swap3A_170 = vector.load %arg21[%swap3A_168, %swap3A_169] : memref<512x832xf32, #tpu.memory_space<vmem>>, vector<512x32xf32>
      tpu.vector_store %arg21[%swap3A_168, %swap3A_169], %get3A_167 {strides = array<i32>} : memref<512x832xf32, #tpu.memory_space<vmem>>, vector<512x32xf32>,
      %get3A_171 = arith.constant 19 : index
      %get3A_172 = arith.constant 0 : index
      %get3A_173 = arith.constant 0 : index
      %get3A_174 = vector.load %arg2[%get3A_171, %get3A_172, %get3A_173] : memref<26x512x128xf32, #tpu.memory_space<vmem>>, vector<1x512x32xf32>
      %get3A_175 = vector.shape_cast %get3A_174 : vector<1x512x32xf32> to vector<512x32xf32>
      %swap3A_176 = arith.constant 0 : index
      %swap3A_177 = arith.constant 608 : index
      %swap3A_178 = vector.load %arg21[%swap3A_176, %swap3A_177] : memref<512x832xf32, #tpu.memory_space<vmem>>, vector<512x32xf32>
      tpu.vector_store %arg21[%swap3A_176, %swap3A_177], %get3A_175 {strides = array<i32>} : memref<512x832xf32, #tpu.memory_space<vmem>>, vector<512x32xf32>,
      %get3A_179 = arith.constant 20 : index
      %get3A_180 = arith.constant 0 : index
      %get3A_181 = arith.constant 0 : index
      %get3A_182 = vector.load %arg2[%get3A_179, %get3A_180, %get3A_181] : memref<26x512x128xf32, #tpu.memory_space<vmem>>, vector<1x512x32xf32>
      %get3A_183 = vector.shape_cast %get3A_182 : vector<1x512x32xf32> to vector<512x32xf32>
      %swap3A_184 = arith.constant 0 : index
      %swap3A_185 = arith.constant 640 : index
      %swap3A_186 = vector.load %arg21[%swap3A_184, %swap3A_185] : memref<512x832xf32, #tpu.memory_space<vmem>>, vector<512x32xf32>
      tpu.vector_store %arg21[%swap3A_184, %swap3A_185], %get3A_183 {strides = array<i32>} : memref<512x832xf32, #tpu.memory_space<vmem>>, vector<512x32xf32>,
      %get3A_187 = arith.constant 21 : index
      %get3A_188 = arith.constant 0 : index
      %get3A_189 = arith.constant 0 : index
      %get3A_190 = vector.load %arg2[%get3A_187, %get3A_188, %get3A_189] : memref<26x512x128xf32, #tpu.memory_space<vmem>>, vector<1x512x32xf32>
      %get3A_191 = vector.shape_cast %get3A_190 : vector<1x512x32xf32> to vector<512x32xf32>
      %swap3A_192 = arith.constant 0 : index
      %swap3A_193 = arith.constant 672 : index
      %swap3A_194 = vector.load %arg21[%swap3A_192, %swap3A_193] : memref<512x832xf32, #tpu.memory_space<vmem>>, vector<512x32xf32>
      tpu.vector_store %arg21[%swap3A_192, %swap3A_193], %get3A_191 {strides = array<i32>} : memref<512x832xf32, #tpu.memory_space<vmem>>, vector<512x32xf32>,
      %get3A_195 = arith.constant 22 : index
      %get3A_196 = arith.constant 0 : index
      %get3A_197 = arith.constant 0 : index
      %get3A_198 = vector.load %arg2[%get3A_195, %get3A_196, %get3A_197] : memref<26x512x128xf32, #tpu.memory_space<vmem>>, vector<1x512x32xf32>
      %get3A_199 = vector.shape_cast %get3A_198 : vector<1x512x32xf32> to vector<512x32xf32>
      %swap3A_200 = arith.constant 0 : index
      %swap3A_201 = arith.constant 704 : index
      %swap3A_202 = vector.load %arg21[%swap3A_200, %swap3A_201] : memref<512x832xf32, #tpu.memory_space<vmem>>, vector<512x32xf32>
      tpu.vector_store %arg21[%swap3A_200, %swap3A_201], %get3A_199 {strides = array<i32>} : memref<512x832xf32, #tpu.memory_space<vmem>>, vector<512x32xf32>,
      %get3A_203 = arith.constant 23 : index
      %get3A_204 = arith.constant 0 : index
      %get3A_205 = arith.constant 0 : index
      %get3A_206 = vector.load %arg2[%get3A_203, %get3A_204, %get3A_205] : memref<26x512x128xf32, #tpu.memory_space<vmem>>, vector<1x512x32xf32>
      %get3A_207 = vector.shape_cast %get3A_206 : vector<1x512x32xf32> to vector<512x32xf32>
      %swap3A_208 = arith.constant 0 : index
      %swap3A_209 = arith.constant 736 : index
      %swap3A_210 = vector.load %arg21[%swap3A_208, %swap3A_209] : memref<512x832xf32, #tpu.memory_space<vmem>>, vector<512x32xf32>
      tpu.vector_store %arg21[%swap3A_208, %swap3A_209], %get3A_207 {strides = array<i32>} : memref<512x832xf32, #tpu.memory_space<vmem>>, vector<512x32xf32>,
      %get3A_211 = arith.constant 24 : index
      %get3A_212 = arith.constant 0 : index
      %get3A_213 = arith.constant 0 : index
      %get3A_214 = vector.load %arg2[%get3A_211, %get3A_212, %get3A_213] : memref<26x512x128xf32, #tpu.memory_space<vmem>>, vector<1x512x32xf32>
      %get3A_215 = vector.shape_cast %get3A_214 : vector<1x512x32xf32> to vector<512x32xf32>
      %swap3A_216 = arith.constant 0 : index
      %swap3A_217 = arith.constant 768 : index
      %swap3A_218 = vector.load %arg21[%swap3A_216, %swap3A_217] : memref<512x832xf32, #tpu.memory_space<vmem>>, vector<512x32xf32>
      tpu.vector_store %arg21[%swap3A_216, %swap3A_217], %get3A_215 {strides = array<i32>} : memref<512x832xf32, #tpu.memory_space<vmem>>, vector<512x32xf32>,
      %get3A_219 = arith.constant 25 : index
      %get3A_220 = arith.constant 0 : index
      %get3A_221 = arith.constant 0 : index
      %get3A_222 = vector.load %arg2[%get3A_219, %get3A_220, %get3A_221] : memref<26x512x128xf32, #tpu.memory_space<vmem>>, vector<1x512x32xf32>
      %get3A_223 = vector.shape_cast %get3A_222 : vector<1x512x32xf32> to vector<512x32xf32>
      %swap3A_224 = arith.constant 0 : index
      %swap3A_225 = arith.constant 800 : index
      %swap3A_226 = vector.load %arg21[%swap3A_224, %swap3A_225] : memref<512x832xf32, #tpu.memory_space<vmem>>, vector<512x32xf32>
      tpu.vector_store %arg21[%swap3A_224, %swap3A_225], %get3A_223 {strides = array<i32>} : memref<512x832xf32, #tpu.memory_space<vmem>>, vector<512x32xf32>,
      %get3A_227 = arith.constant 0 : index
      %get3A_228 = arith.constant 0 : index
      %get3A_229 = vector.load %arg1[%get3A_227, %get3A_228] : memref<512x13xf32, #tpu.memory_space<vmem>>, vector<512x13xf32>
      %get3A_230 = arith.constant 0 : index
      %get3A_231 = arith.constant 0 : index
      %get3A_232 = vector.load %arg3[%get3A_230, %get3A_231] : memref<13x256xf32, #tpu.memory_space<vmem>>, vector<13x256xf32>
      %dot_general3A = arith.constant dense<0.000000e+00> : vector<512x256xf32>
      %dot_general3A_233 = tpu.matmul %get3A_229, %get3A_232, %dot_general3A {dimension_numbers = #tpu.dot_dimension_numbers<[1], [0], [0], [1], [0, 0, 1, 1], [], []>, transpose_lhs_hint = false} : vector<512x13xf32>, vector<13x256xf32>, vector<512x256xf32> -> vector<512x256xf32>
      %get3A_234 = arith.constant 0 : index
      %get3A_235 = arith.constant 0 : index
      %get3A_236 = vector.load %arg21[%get3A_234, %get3A_235] : memref<512x832xf32, #tpu.memory_space<vmem>>, vector<512x832xf32>
      %get3A_237 = arith.constant 0 : index
      %get3A_238 = arith.constant 0 : index
      %get3A_239 = vector.load %arg4[%get3A_237, %get3A_238] : memref<832x256xf32, #tpu.memory_space<vmem>>, vector<832x256xf32>
      %dot_general3A_240 = arith.constant dense<0.000000e+00> : vector<512x256xf32>
      %dot_general3A_241 = tpu.matmul %get3A_236, %get3A_239, %dot_general3A_240 {dimension_numbers = #tpu.dot_dimension_numbers<[1], [0], [0], [1], [0, 0, 1, 1], [], []>, transpose_lhs_hint = false} : vector<512x832xf32>, vector<832x256xf32>, vector<512x256xf32> -> vector<512x256xf32>
      %add3A = arith.addf %dot_general3A_233, %dot_general3A_241 : vector<512x256xf32>
      %get3A_242 = arith.constant 0 : index
      %get3A_243 = arith.constant 0 : index
      %get3A_244 = vector.load %arg5[%get3A_242, %get3A_243] : memref<1x256xf32, #tpu.memory_space<vmem>>, vector<1x256xf32>
      %add3A_245 = vector.broadcast %get3A_244 : vector<1x256xf32> to vector<512x256xf32>
      %add3A_246 = arith.addf %add3A, %add3A_245 : vector<512x256xf32>
      %mul3A = arith.constant 512 : i32
      %mul3A_247 = arith.muli %arg0, %mul3A : i32
      %swap3A_248 = arith.index_cast %mul3A_247 : i32 to index
      %swap3A_249 = arith.constant 0 : index
      %swap3A_250 = vector.load %arg19[%swap3A_248, %swap3A_249] : memref<16384x256xf32, #tpu.memory_space<vmem>>, vector<512x256xf32>
      tpu.vector_store %arg19[%swap3A_248, %swap3A_249], %add3A_246 {strides = array<i32>} : memref<16384x256xf32, #tpu.memory_space<vmem>>, vector<512x256xf32>,
      %get3A_251 = arith.constant 0 : index
      %get3A_252 = arith.constant 0 : index
      %get3A_253 = vector.load %arg20[%get3A_251, %get3A_252] : memref<2x256xf32, #tpu.memory_space<vmem>>, vector<1x256xf32>
      %reduce_sum3A = arith.constant dense<0.000000e+00> : vector<256xf32>
      %reduce_sum3A_254 = vector.multi_reduction <add>, %add3A_246, %reduce_sum3A [0] : vector<512x256xf32> to vector<256xf32>
      %broadcast_in_dim3A = vector.shape_cast %reduce_sum3A_254 : vector<256xf32> to vector<1x256xf32>
      %add3A_255 = arith.addf %get3A_253, %broadcast_in_dim3A : vector<1x256xf32>
      %swap3A_256 = arith.constant 0 : index
      %swap3A_257 = arith.constant 0 : index
      %swap3A_258 = vector.load %arg20[%swap3A_256, %swap3A_257] : memref<2x256xf32, #tpu.memory_space<vmem>>, vector<1x256xf32>
      tpu.vector_store %arg20[%swap3A_256, %swap3A_257], %add3A_255 {strides = array<i32>} : memref<2x256xf32, #tpu.memory_space<vmem>>, vector<1x256xf32>,
      %get3A_259 = arith.constant 1 : index
      %get3A_260 = arith.constant 0 : index
      %get3A_261 = vector.load %arg20[%get3A_259, %get3A_260] : memref<2x256xf32, #tpu.memory_space<vmem>>, vector<1x256xf32>
      %mul3A_262 = arith.mulf %add3A_246, %add3A_246 : vector<512x256xf32>
      %reduce_sum3A_263 = arith.constant dense<0.000000e+00> : vector<256xf32>
      %reduce_sum3A_264 = vector.multi_reduction <add>, %mul3A_262, %reduce_sum3A_263 [0] : vector<512x256xf32> to vector<256xf32>
      %broadcast_in_dim3A_265 = vector.shape_cast %reduce_sum3A_264 : vector<256xf32> to vector<1x256xf32>
      %add3A_266 = arith.addf %get3A_261, %broadcast_in_dim3A_265 : vector<1x256xf32>
      %swap3A_267 = arith.constant 1 : index
      %swap3A_268 = arith.constant 0 : index
      %swap3A_269 = vector.load %arg20[%swap3A_267, %swap3A_268] : memref<2x256xf32, #tpu.memory_space<vmem>>, vector<1x256xf32>
      tpu.vector_store %arg20[%swap3A_267, %swap3A_268], %add3A_266 {strides = array<i32>} : memref<2x256xf32, #tpu.memory_space<vmem>>, vector<1x256xf32>,
    } else {
    }
    %eq3A = arith.constant 32 : i32
    %eq3A_2 = arith.cmpi eq, %arg0, %eq3A : i32
    %convert_element_type3A_3 = arith.extui %eq3A_2 : i1 to i32
    %cond3A_4 = arith.constant 0 : i32
    %cond3A_5 = arith.cmpi ne, %convert_element_type3A_3, %cond3A_4 : i32
    scf.if %cond3A_5 {
      %get3A = arith.constant 0 : index
      %get3A_16 = arith.constant 0 : index
      %get3A_17 = vector.load %arg20[%get3A, %get3A_16] : memref<2x256xf32, #tpu.memory_space<vmem>>, vector<1x256xf32>
      %mul3A = arith.constant 6.10351563E-5 : f32
      %mul3A_18 = vector.broadcast %mul3A : f32 to vector<1x256xf32>
      %mul3A_19 = arith.mulf %get3A_17, %mul3A_18 : vector<1x256xf32>
      %get3A_20 = arith.constant 1 : index
      %get3A_21 = arith.constant 0 : index
      %get3A_22 = vector.load %arg20[%get3A_20, %get3A_21] : memref<2x256xf32, #tpu.memory_space<vmem>>, vector<1x256xf32>
      %mul3A_23 = arith.constant 6.10351563E-5 : f32
      %mul3A_24 = vector.broadcast %mul3A_23 : f32 to vector<1x256xf32>
      %mul3A_25 = arith.mulf %get3A_22, %mul3A_24 : vector<1x256xf32>
      %mul3A_26 = arith.mulf %mul3A_19, %mul3A_19 : vector<1x256xf32>
      %sub3A = arith.subf %mul3A_25, %mul3A_26 : vector<1x256xf32>
      %get3A_27 = arith.constant 0 : index
      %get3A_28 = arith.constant 0 : index
      %get3A_29 = vector.load %arg6[%get3A_27, %get3A_28] : memref<1x256xf32, #tpu.memory_space<vmem>>, vector<1x256xf32>
      %add3A = arith.constant 9.99999974E-6 : f32
      %add3A_30 = vector.broadcast %add3A : f32 to vector<1x256xf32>
      %add3A_31 = arith.addf %sub3A, %add3A_30 : vector<1x256xf32>
      %rsqrt3A = math.rsqrt %add3A_31 : vector<1x256xf32>
      %mul3A_32 = arith.mulf %get3A_29, %rsqrt3A : vector<1x256xf32>
      %get3A_33 = arith.constant 0 : index
      %get3A_34 = arith.constant 0 : index
      %get3A_35 = vector.load %arg7[%get3A_33, %get3A_34] : memref<1x256xf32, #tpu.memory_space<vmem>>, vector<1x256xf32>
      %mul3A_36 = arith.mulf %mul3A_19, %mul3A_32 : vector<1x256xf32>
      %sub3A_37 = arith.subf %get3A_35, %mul3A_36 : vector<1x256xf32>
      %broadcast_in_dim3A = arith.constant 0.000000e+00 : f32
      %broadcast_in_dim3A_38 = vector.broadcast %broadcast_in_dim3A : f32 to vector<1x256xf32>
      %broadcast_in_dim3A_39 = arith.constant 0.000000e+00 : f32
      %broadcast_in_dim3A_40 = vector.broadcast %broadcast_in_dim3A_39 : f32 to vector<1x256xf32>
      %scan3A = arith.constant 0 : i32
      %scan3A_41 = arith.constant 8 : i32
      %scan3A_42 = arith.addi %scan3A, %scan3A_41 : i32
      %scan3A_43 = arith.constant 1 : i32
      %scan3A_44:2 = scf.for %scan3A_51 = %scan3A to %scan3A_42 step %scan3A_43 iter_args(%scan3A_52 = %broadcast_in_dim3A_38, %scan3A_53 = %broadcast_in_dim3A_40) -> (vector<1x256xf32>, vector<1x256xf32>)  : i32 {
        %mul3A_54 = arith.constant 2048 : i32
        %mul3A_55 = arith.muli %scan3A_51, %mul3A_54 : i32
        %get3A_56 = arith.index_cast %mul3A_55 : i32 to index
        %get3A_57 = arith.constant 0 : index
        %get3A_58 = vector.load %arg19[%get3A_56, %get3A_57] : memref<16384x256xf32, #tpu.memory_space<vmem>>, vector<2048x256xf32>
        %mul3A_59 = vector.broadcast %mul3A_32 : vector<1x256xf32> to vector<2048x256xf32>
        %mul3A_60 = arith.mulf %get3A_58, %mul3A_59 : vector<2048x256xf32>
        %add3A_61 = vector.broadcast %sub3A_37 : vector<1x256xf32> to vector<2048x256xf32>
        %add3A_62 = arith.addf %mul3A_60, %add3A_61 : vector<2048x256xf32>
        %max3A = arith.constant 0.000000e+00 : f32
        %max3A_63 = vector.broadcast %max3A : f32 to vector<2048x256xf32>
        %max3A_64 = arith.maximumf %add3A_62, %max3A_63 : vector<2048x256xf32>
        %get3A_65 = arith.constant 0 : index
        %get3A_66 = arith.constant 0 : index
        %get3A_67 = vector.load %arg8[%get3A_65, %get3A_66] : memref<256x256xf32, #tpu.memory_space<vmem>>, vector<256x256xf32>
        %dot_general3A = arith.constant dense<0.000000e+00> : vector<2048x256xf32>
        %dot_general3A_68 = tpu.matmul %max3A_64, %get3A_67, %dot_general3A {dimension_numbers = #tpu.dot_dimension_numbers<[1], [0], [0], [1], [0, 0, 1, 1], [], []>, transpose_lhs_hint = false} : vector<2048x256xf32>, vector<256x256xf32>, vector<2048x256xf32> -> vector<2048x256xf32>
        %get3A_69 = arith.constant 0 : index
        %get3A_70 = arith.constant 0 : index
        %get3A_71 = vector.load %arg9[%get3A_69, %get3A_70] : memref<1x256xf32, #tpu.memory_space<vmem>>, vector<1x256xf32>
        %add3A_72 = vector.broadcast %get3A_71 : vector<1x256xf32> to vector<2048x256xf32>
        %add3A_73 = arith.addf %dot_general3A_68, %add3A_72 : vector<2048x256xf32>
        %mul3A_74 = arith.constant 2048 : i32
        %mul3A_75 = arith.muli %scan3A_51, %mul3A_74 : i32
        %swap3A_76 = arith.index_cast %mul3A_75 : i32 to index
        %swap3A_77 = arith.constant 0 : index
        %swap3A_78 = vector.load %arg19[%swap3A_76, %swap3A_77] : memref<16384x256xf32, #tpu.memory_space<vmem>>, vector<2048x256xf32>
        tpu.vector_store %arg19[%swap3A_76, %swap3A_77], %add3A_73 {strides = array<i32>} : memref<16384x256xf32, #tpu.memory_space<vmem>>, vector<2048x256xf32>,
        %reduce_sum3A = arith.constant dense<0.000000e+00> : vector<256xf32>
        %reduce_sum3A_79 = vector.multi_reduction <add>, %add3A_73, %reduce_sum3A [0] : vector<2048x256xf32> to vector<256xf32>
        %broadcast_in_dim3A_80 = vector.shape_cast %reduce_sum3A_79 : vector<256xf32> to vector<1x256xf32>
        %add3A_81 = arith.addf %scan3A_52, %broadcast_in_dim3A_80 : vector<1x256xf32>
        %mul3A_82 = arith.mulf %add3A_73, %add3A_73 : vector<2048x256xf32>
        %reduce_sum3A_83 = arith.constant dense<0.000000e+00> : vector<256xf32>
        %reduce_sum3A_84 = vector.multi_reduction <add>, %mul3A_82, %reduce_sum3A_83 [0] : vector<2048x256xf32> to vector<256xf32>
        %broadcast_in_dim3A_85 = vector.shape_cast %reduce_sum3A_84 : vector<256xf32> to vector<1x256xf32>
        %add3A_86 = arith.addf %scan3A_53, %broadcast_in_dim3A_85 : vector<1x256xf32>
        scf.yield %add3A_81, %add3A_86 : vector<1x256xf32>, vector<1x256xf32>
      }
      %scan3A_45 = arith.constant 8 : i32
      %swap3A = arith.constant 0 : index
      %swap3A_46 = arith.constant 0 : index
      %swap3A_47 = vector.load %arg20[%swap3A, %swap3A_46] : memref<2x256xf32, #tpu.memory_space<vmem>>, vector<1x256xf32>
      tpu.vector_store %arg20[%swap3A, %swap3A_46], %scan3A_44#0 {strides = array<i32>} : memref<2x256xf32, #tpu.memory_space<vmem>>, vector<1x256xf32>,
      %swap3A_48 = arith.constant 1 : index
      %swap3A_49 = arith.constant 0 : index
      %swap3A_50 = vector.load %arg20[%swap3A_48, %swap3A_49] : memref<2x256xf32, #tpu.memory_space<vmem>>, vector<1x256xf32>
      tpu.vector_store %arg20[%swap3A_48, %swap3A_49], %scan3A_44#1 {strides = array<i32>} : memref<2x256xf32, #tpu.memory_space<vmem>>, vector<1x256xf32>,
    } else {
    }
    %eq3A_6 = arith.constant 33 : i32
    %eq3A_7 = arith.cmpi eq, %arg0, %eq3A_6 : i32
    %convert_element_type3A_8 = arith.extui %eq3A_7 : i1 to i32
    %cond3A_9 = arith.constant 0 : i32
    %cond3A_10 = arith.cmpi ne, %convert_element_type3A_8, %cond3A_9 : i32
    scf.if %cond3A_10 {
      %get3A = arith.constant 0 : index
      %get3A_16 = arith.constant 0 : index
      %get3A_17 = vector.load %arg20[%get3A, %get3A_16] : memref<2x256xf32, #tpu.memory_space<vmem>>, vector<1x256xf32>
      %mul3A = arith.constant 6.10351563E-5 : f32
      %mul3A_18 = vector.broadcast %mul3A : f32 to vector<1x256xf32>
      %mul3A_19 = arith.mulf %get3A_17, %mul3A_18 : vector<1x256xf32>
      %get3A_20 = arith.constant 1 : index
      %get3A_21 = arith.constant 0 : index
      %get3A_22 = vector.load %arg20[%get3A_20, %get3A_21] : memref<2x256xf32, #tpu.memory_space<vmem>>, vector<1x256xf32>
      %mul3A_23 = arith.constant 6.10351563E-5 : f32
      %mul3A_24 = vector.broadcast %mul3A_23 : f32 to vector<1x256xf32>
      %mul3A_25 = arith.mulf %get3A_22, %mul3A_24 : vector<1x256xf32>
      %mul3A_26 = arith.mulf %mul3A_19, %mul3A_19 : vector<1x256xf32>
      %sub3A = arith.subf %mul3A_25, %mul3A_26 : vector<1x256xf32>
      %get3A_27 = arith.constant 0 : index
      %get3A_28 = arith.constant 0 : index
      %get3A_29 = vector.load %arg10[%get3A_27, %get3A_28] : memref<1x256xf32, #tpu.memory_space<vmem>>, vector<1x256xf32>
      %add3A = arith.constant 9.99999974E-6 : f32
      %add3A_30 = vector.broadcast %add3A : f32 to vector<1x256xf32>
      %add3A_31 = arith.addf %sub3A, %add3A_30 : vector<1x256xf32>
      %rsqrt3A = math.rsqrt %add3A_31 : vector<1x256xf32>
      %mul3A_32 = arith.mulf %get3A_29, %rsqrt3A : vector<1x256xf32>
      %get3A_33 = arith.constant 0 : index
      %get3A_34 = arith.constant 0 : index
      %get3A_35 = vector.load %arg11[%get3A_33, %get3A_34] : memref<1x256xf32, #tpu.memory_space<vmem>>, vector<1x256xf32>
      %mul3A_36 = arith.mulf %mul3A_19, %mul3A_32 : vector<1x256xf32>
      %sub3A_37 = arith.subf %get3A_35, %mul3A_36 : vector<1x256xf32>
      %broadcast_in_dim3A = arith.constant 0.000000e+00 : f32
      %broadcast_in_dim3A_38 = vector.broadcast %broadcast_in_dim3A : f32 to vector<1x256xf32>
      %broadcast_in_dim3A_39 = arith.constant 0.000000e+00 : f32
      %broadcast_in_dim3A_40 = vector.broadcast %broadcast_in_dim3A_39 : f32 to vector<1x256xf32>
      %scan3A = arith.constant 0 : i32
      %scan3A_41 = arith.constant 8 : i32
      %scan3A_42 = arith.addi %scan3A, %scan3A_41 : i32
      %scan3A_43 = arith.constant 1 : i32
      %scan3A_44:2 = scf.for %scan3A_51 = %scan3A to %scan3A_42 step %scan3A_43 iter_args(%scan3A_52 = %broadcast_in_dim3A_38, %scan3A_53 = %broadcast_in_dim3A_40) -> (vector<1x256xf32>, vector<1x256xf32>)  : i32 {
        %mul3A_54 = arith.constant 2048 : i32
        %mul3A_55 = arith.muli %scan3A_51, %mul3A_54 : i32
        %get3A_56 = arith.index_cast %mul3A_55 : i32 to index
        %get3A_57 = arith.constant 0 : index
        %get3A_58 = vector.load %arg19[%get3A_56, %get3A_57] : memref<16384x256xf32, #tpu.memory_space<vmem>>, vector<2048x256xf32>
        %mul3A_59 = vector.broadcast %mul3A_32 : vector<1x256xf32> to vector<2048x256xf32>
        %mul3A_60 = arith.mulf %get3A_58, %mul3A_59 : vector<2048x256xf32>
        %add3A_61 = vector.broadcast %sub3A_37 : vector<1x256xf32> to vector<2048x256xf32>
        %add3A_62 = arith.addf %mul3A_60, %add3A_61 : vector<2048x256xf32>
        %max3A = arith.constant 0.000000e+00 : f32
        %max3A_63 = vector.broadcast %max3A : f32 to vector<2048x256xf32>
        %max3A_64 = arith.maximumf %add3A_62, %max3A_63 : vector<2048x256xf32>
        %get3A_65 = arith.constant 0 : index
        %get3A_66 = arith.constant 0 : index
        %get3A_67 = vector.load %arg12[%get3A_65, %get3A_66] : memref<256x256xf32, #tpu.memory_space<vmem>>, vector<256x256xf32>
        %dot_general3A = arith.constant dense<0.000000e+00> : vector<2048x256xf32>
        %dot_general3A_68 = tpu.matmul %max3A_64, %get3A_67, %dot_general3A {dimension_numbers = #tpu.dot_dimension_numbers<[1], [0], [0], [1], [0, 0, 1, 1], [], []>, transpose_lhs_hint = false} : vector<2048x256xf32>, vector<256x256xf32>, vector<2048x256xf32> -> vector<2048x256xf32>
        %get3A_69 = arith.constant 0 : index
        %get3A_70 = arith.constant 0 : index
        %get3A_71 = vector.load %arg13[%get3A_69, %get3A_70] : memref<1x256xf32, #tpu.memory_space<vmem>>, vector<1x256xf32>
        %add3A_72 = vector.broadcast %get3A_71 : vector<1x256xf32> to vector<2048x256xf32>
        %add3A_73 = arith.addf %dot_general3A_68, %add3A_72 : vector<2048x256xf32>
        %mul3A_74 = arith.constant 2048 : i32
        %mul3A_75 = arith.muli %scan3A_51, %mul3A_74 : i32
        %swap3A_76 = arith.index_cast %mul3A_75 : i32 to index
        %swap3A_77 = arith.constant 0 : index
        %swap3A_78 = vector.load %arg19[%swap3A_76, %swap3A_77] : memref<16384x256xf32, #tpu.memory_space<vmem>>, vector<2048x256xf32>
        tpu.vector_store %arg19[%swap3A_76, %swap3A_77], %add3A_73 {strides = array<i32>} : memref<16384x256xf32, #tpu.memory_space<vmem>>, vector<2048x256xf32>,
        %reduce_sum3A = arith.constant dense<0.000000e+00> : vector<256xf32>
        %reduce_sum3A_79 = vector.multi_reduction <add>, %add3A_73, %reduce_sum3A [0] : vector<2048x256xf32> to vector<256xf32>
        %broadcast_in_dim3A_80 = vector.shape_cast %reduce_sum3A_79 : vector<256xf32> to vector<1x256xf32>
        %add3A_81 = arith.addf %scan3A_52, %broadcast_in_dim3A_80 : vector<1x256xf32>
        %mul3A_82 = arith.mulf %add3A_73, %add3A_73 : vector<2048x256xf32>
        %reduce_sum3A_83 = arith.constant dense<0.000000e+00> : vector<256xf32>
        %reduce_sum3A_84 = vector.multi_reduction <add>, %mul3A_82, %reduce_sum3A_83 [0] : vector<2048x256xf32> to vector<256xf32>
        %broadcast_in_dim3A_85 = vector.shape_cast %reduce_sum3A_84 : vector<256xf32> to vector<1x256xf32>
        %add3A_86 = arith.addf %scan3A_53, %broadcast_in_dim3A_85 : vector<1x256xf32>
        scf.yield %add3A_81, %add3A_86 : vector<1x256xf32>, vector<1x256xf32>
      }
      %scan3A_45 = arith.constant 8 : i32
      %swap3A = arith.constant 0 : index
      %swap3A_46 = arith.constant 0 : index
      %swap3A_47 = vector.load %arg20[%swap3A, %swap3A_46] : memref<2x256xf32, #tpu.memory_space<vmem>>, vector<1x256xf32>
      tpu.vector_store %arg20[%swap3A, %swap3A_46], %scan3A_44#0 {strides = array<i32>} : memref<2x256xf32, #tpu.memory_space<vmem>>, vector<1x256xf32>,
      %swap3A_48 = arith.constant 1 : index
      %swap3A_49 = arith.constant 0 : index
      %swap3A_50 = vector.load %arg20[%swap3A_48, %swap3A_49] : memref<2x256xf32, #tpu.memory_space<vmem>>, vector<1x256xf32>
      tpu.vector_store %arg20[%swap3A_48, %swap3A_49], %scan3A_44#1 {strides = array<i32>} : memref<2x256xf32, #tpu.memory_space<vmem>>, vector<1x256xf32>,
    } else {
    }
    %eq3A_11 = arith.constant 34 : i32
    %eq3A_12 = arith.cmpi eq, %arg0, %eq3A_11 : i32
    %convert_element_type3A_13 = arith.extui %eq3A_12 : i1 to i32
    %cond3A_14 = arith.constant 0 : i32
    %cond3A_15 = arith.cmpi ne, %convert_element_type3A_13, %cond3A_14 : i32
    scf.if %cond3A_15 {
      %get3A = arith.constant 0 : index
      %get3A_16 = arith.constant 0 : index
      %get3A_17 = vector.load %arg20[%get3A, %get3A_16] : memref<2x256xf32, #tpu.memory_space<vmem>>, vector<1x256xf32>
      %mul3A = arith.constant 6.10351563E-5 : f32
      %mul3A_18 = vector.broadcast %mul3A : f32 to vector<1x256xf32>
      %mul3A_19 = arith.mulf %get3A_17, %mul3A_18 : vector<1x256xf32>
      %get3A_20 = arith.constant 1 : index
      %get3A_21 = arith.constant 0 : index
      %get3A_22 = vector.load %arg20[%get3A_20, %get3A_21] : memref<2x256xf32, #tpu.memory_space<vmem>>, vector<1x256xf32>
      %mul3A_23 = arith.constant 6.10351563E-5 : f32
      %mul3A_24 = vector.broadcast %mul3A_23 : f32 to vector<1x256xf32>
      %mul3A_25 = arith.mulf %get3A_22, %mul3A_24 : vector<1x256xf32>
      %mul3A_26 = arith.mulf %mul3A_19, %mul3A_19 : vector<1x256xf32>
      %sub3A = arith.subf %mul3A_25, %mul3A_26 : vector<1x256xf32>
      %get3A_27 = arith.constant 0 : index
      %get3A_28 = arith.constant 0 : index
      %get3A_29 = vector.load %arg14[%get3A_27, %get3A_28] : memref<1x256xf32, #tpu.memory_space<vmem>>, vector<1x256xf32>
      %add3A = arith.constant 9.99999974E-6 : f32
      %add3A_30 = vector.broadcast %add3A : f32 to vector<1x256xf32>
      %add3A_31 = arith.addf %sub3A, %add3A_30 : vector<1x256xf32>
      %rsqrt3A = math.rsqrt %add3A_31 : vector<1x256xf32>
      %mul3A_32 = arith.mulf %get3A_29, %rsqrt3A : vector<1x256xf32>
      %get3A_33 = arith.constant 0 : index
      %get3A_34 = arith.constant 0 : index
      %get3A_35 = vector.load %arg15[%get3A_33, %get3A_34] : memref<1x256xf32, #tpu.memory_space<vmem>>, vector<1x256xf32>
      %mul3A_36 = arith.mulf %mul3A_19, %mul3A_32 : vector<1x256xf32>
      %sub3A_37 = arith.subf %get3A_35, %mul3A_36 : vector<1x256xf32>
      %scan3A = arith.constant 0 : i32
      %scan3A_38 = arith.constant 8 : i32
      %scan3A_39 = arith.addi %scan3A, %scan3A_38 : i32
      %scan3A_40 = arith.constant 1 : i32
      scf.for %scan3A_42 = %scan3A to %scan3A_39 step %scan3A_40  : i32 {
        %mul3A_43 = arith.constant 2048 : i32
        %mul3A_44 = arith.muli %scan3A_42, %mul3A_43 : i32
        %get3A_45 = arith.index_cast %mul3A_44 : i32 to index
        %get3A_46 = arith.constant 0 : index
        %get3A_47 = vector.load %arg19[%get3A_45, %get3A_46] : memref<16384x256xf32, #tpu.memory_space<vmem>>, vector<2048x256xf32>
        %mul3A_48 = vector.broadcast %mul3A_32 : vector<1x256xf32> to vector<2048x256xf32>
        %mul3A_49 = arith.mulf %get3A_47, %mul3A_48 : vector<2048x256xf32>
        %add3A_50 = vector.broadcast %sub3A_37 : vector<1x256xf32> to vector<2048x256xf32>
        %add3A_51 = arith.addf %mul3A_49, %add3A_50 : vector<2048x256xf32>
        %max3A = arith.constant 0.000000e+00 : f32
        %max3A_52 = vector.broadcast %max3A : f32 to vector<2048x256xf32>
        %max3A_53 = arith.maximumf %add3A_51, %max3A_52 : vector<2048x256xf32>
        %get3A_54 = arith.constant 0 : index
        %get3A_55 = arith.constant 0 : index
        %get3A_56 = vector.load %arg16[%get3A_54, %get3A_55] : memref<256x7xf32, #tpu.memory_space<vmem>>, vector<256x7xf32>
        %dot_general3A = arith.constant dense<0.000000e+00> : vector<2048x7xf32>
        %dot_general3A_57 = tpu.matmul %max3A_53, %get3A_56, %dot_general3A {dimension_numbers = #tpu.dot_dimension_numbers<[1], [0], [0], [1], [0, 0, 1, 1], [], []>, transpose_lhs_hint = false} : vector<2048x256xf32>, vector<256x7xf32>, vector<2048x7xf32> -> vector<2048x7xf32>
        %get3A_58 = arith.constant 0 : index
        %get3A_59 = arith.constant 0 : index
        %get3A_60 = vector.load %arg17[%get3A_58, %get3A_59] : memref<1x7xf32, #tpu.memory_space<vmem>>, vector<1x7xf32>
        %add3A_61 = vector.broadcast %get3A_60 : vector<1x7xf32> to vector<2048x7xf32>
        %add3A_62 = arith.addf %dot_general3A_57, %add3A_61 : vector<2048x7xf32>
        %mul3A_63 = arith.constant 2048 : i32
        %mul3A_64 = arith.muli %scan3A_42, %mul3A_63 : i32
        %swap3A = arith.index_cast %mul3A_64 : i32 to index
        %swap3A_65 = arith.constant 0 : index
        %swap3A_66 = vector.load %arg18[%swap3A, %swap3A_65] : memref<16384x7xf32, #tpu.memory_space<vmem>>, vector<2048x7xf32>
        tpu.vector_store %arg18[%swap3A, %swap3A_65], %add3A_62 {strides = array<i32>} : memref<16384x7xf32, #tpu.memory_space<vmem>>, vector<2048x7xf32>,
      }
      %scan3A_41 = arith.constant 8 : i32
    } else {
    }
    return
  }
  func.func @transform_0(%arg0: i32) -> (i32, i32) {
    %min3A = arith.constant 31 : i32
    %min3A_0 = arith.minsi %arg0, %min3A : i32
    %c0_i32 = arith.constant 0 : i32
    %c0_i32_1 = arith.constant 0 : i32
    return %min3A_0, %c0_i32 : i32, i32
  }
  func.func @transform_1(%arg0: i32) -> (i32, i32, i32) {
    %min3A = arith.constant 31 : i32
    %min3A_0 = arith.minsi %arg0, %min3A : i32
    %c0_i32 = arith.constant 0 : i32
    %c0_i32_1 = arith.constant 0 : i32
    %c0_i32_2 = arith.constant 0 : i32
    return %c0_i32, %min3A_0, %c0_i32_1 : i32, i32, i32
  }
  func.func @transform_2(%arg0: i32) -> (i32, i32) {
    %c0_i32 = arith.constant 0 : i32
    %c0_i32_0 = arith.constant 0 : i32
    %c0_i32_1 = arith.constant 0 : i32
    return %c0_i32, %c0_i32_0 : i32, i32
  }
  func.func @transform_3(%arg0: i32) -> (i32, i32) {
    %c0_i32 = arith.constant 0 : i32
    %c0_i32_0 = arith.constant 0 : i32
    %c0_i32_1 = arith.constant 0 : i32
    return %c0_i32, %c0_i32_0 : i32, i32
  }
  func.func @transform_4(%arg0: i32) -> (i32, i32) {
    %c0_i32 = arith.constant 0 : i32
    %c0_i32_0 = arith.constant 0 : i32
    %c0_i32_1 = arith.constant 0 : i32
    return %c0_i32, %c0_i32_0 : i32, i32
  }
  func.func @transform_5(%arg0: i32) -> (i32, i32) {
    %c0_i32 = arith.constant 0 : i32
    %c0_i32_0 = arith.constant 0 : i32
    %c0_i32_1 = arith.constant 0 : i32
    return %c0_i32, %c0_i32_0 : i32, i32
  }
  func.func @transform_6(%arg0: i32) -> (i32, i32) {
    %c0_i32 = arith.constant 0 : i32
    %c0_i32_0 = arith.constant 0 : i32
    %c0_i32_1 = arith.constant 0 : i32
    return %c0_i32, %c0_i32_0 : i32, i32
  }
  func.func @transform_7(%arg0: i32) -> (i32, i32) {
    %c0_i32 = arith.constant 0 : i32
    %c0_i32_0 = arith.constant 0 : i32
    %c0_i32_1 = arith.constant 0 : i32
    return %c0_i32, %c0_i32_0 : i32, i32
  }
  func.func @transform_8(%arg0: i32) -> (i32, i32) {
    %c0_i32 = arith.constant 0 : i32
    %c0_i32_0 = arith.constant 0 : i32
    %c0_i32_1 = arith.constant 0 : i32
    return %c0_i32, %c0_i32_0 : i32, i32
  }
  func.func @transform_9(%arg0: i32) -> (i32, i32) {
    %c0_i32 = arith.constant 0 : i32
    %c0_i32_0 = arith.constant 0 : i32
    %c0_i32_1 = arith.constant 0 : i32
    return %c0_i32, %c0_i32_0 : i32, i32
  }
  func.func @transform_10(%arg0: i32) -> (i32, i32) {
    %c0_i32 = arith.constant 0 : i32
    %c0_i32_0 = arith.constant 0 : i32
    %c0_i32_1 = arith.constant 0 : i32
    return %c0_i32, %c0_i32_0 : i32, i32
  }
  func.func @transform_11(%arg0: i32) -> (i32, i32) {
    %c0_i32 = arith.constant 0 : i32
    %c0_i32_0 = arith.constant 0 : i32
    %c0_i32_1 = arith.constant 0 : i32
    return %c0_i32, %c0_i32_0 : i32, i32
  }
  func.func @transform_12(%arg0: i32) -> (i32, i32) {
    %c0_i32 = arith.constant 0 : i32
    %c0_i32_0 = arith.constant 0 : i32
    %c0_i32_1 = arith.constant 0 : i32
    return %c0_i32, %c0_i32_0 : i32, i32
  }
  func.func @transform_13(%arg0: i32) -> (i32, i32) {
    %c0_i32 = arith.constant 0 : i32
    %c0_i32_0 = arith.constant 0 : i32
    %c0_i32_1 = arith.constant 0 : i32
    return %c0_i32, %c0_i32_0 : i32, i32
  }
  func.func @transform_14(%arg0: i32) -> (i32, i32) {
    %c0_i32 = arith.constant 0 : i32
    %c0_i32_0 = arith.constant 0 : i32
    %c0_i32_1 = arith.constant 0 : i32
    return %c0_i32, %c0_i32_0 : i32, i32
  }
  func.func @transform_15(%arg0: i32) -> (i32, i32) {
    %c0_i32 = arith.constant 0 : i32
    %c0_i32_0 = arith.constant 0 : i32
    %c0_i32_1 = arith.constant 0 : i32
    return %c0_i32, %c0_i32_0 : i32, i32
  }
  func.func @transform_16(%arg0: i32) -> (i32, i32) {
    %c0_i32 = arith.constant 0 : i32
    %c0_i32_0 = arith.constant 0 : i32
    %c0_i32_1 = arith.constant 0 : i32
    return %c0_i32, %c0_i32_0 : i32, i32
  }
  func.func @transform_17(%arg0: i32) -> (i32, i32) {
    %c0_i32 = arith.constant 0 : i32
    %c0_i32_0 = arith.constant 0 : i32
    %c0_i32_1 = arith.constant 0 : i32
    return %c0_i32, %c0_i32_0 : i32, i32
  }
}

</mosaic_0001>

<sc_bundles>
// kernel: kernel.5.cloned.1.call-start
scs
__scs_entry_jumppad:
0x0: {  	(pc) =	sbr.rel $0x88, $3  }
0x1: {  	(tag) =	ssettag $0x0;
	lr =	simm.s32 $0x1  }
0x2: {  	[smem:$0x3F91] =	sst lr;
	_ =	strace $0xD0000000  }
0x3: {  	_ = 	snop  }
0x4: {  	_ = 	snop  }
0x5: {  	_ = 	snop  }
0x6: {  	_ = 	snop  }
0x7: {  	_ = 	snop  }
__scs_overlays_trampoline_lowered:
0x8: {  	[smem:$0x3FA0] =	sst s0  }
0x9: {  	[smem:$0x3FA1] =	sst s1  }
0xa: {  	[smem:$0x3FA2] =	sst s2  }
0xb: {  	[smem:$0x3FA3] =	sst s3  }
0xc: {  	[smem:$0x3FA4] =	sst s4  }
0xd: {  	[smem:$0x3FA5] =	sst s5  }
0xe: {  	[smem:$0x3FA6] =	sst s6  }
0xf: {  	[smem:$0x3FA7] =	sst s7  }
0x10: {  	[smem:$0x3FA8] =	sst s8  }
0x11: {  	[smem:$0x3FA9] =	sst s9;
	s0 =	simm.s32 @!p0 $0x0  }
0x12: {  	s1 =	sld [smem:$0x3F8F];
	s0 =	simm.s32 @p0 $0x1  }
0x13: {  	[smem:$0x3FAA] =	sst s0;
	s0 =	simm.s32 @!p1 $0x0  }
0x14: {  	s2 =	sld [smem:$0x3F8E];
	s0 =	simm.s32 @p1 $0x1  }
0x15: {  	[smem:$0x3FAB] =	sst s0;
	s0 =	simm.s32 @!p2 $0x0  }
0x16: {  	s3 =	sld [smem:$0x3FDB];
	s0 =	simm.s32 @p2 $0x1  }
0x17: {  	s4 =	simm.s32 $0x1BF5;
	[smem:$0x3FAD] =	sst s0  }
0x18: {  	s0 =	sld [smem:$0x3F90];
	_ =	swait.ge [sflag:s4], $0x0  }
0x19: {  	s7 =	sld [smem:$0x3F91]  }
0x1a: {  	s8 =	sadd.s32 $0xFFFFE003, lr  }
0x1b: {  	s9 =	sadd.s32 $0xFFFFFEF7, lr;
	s5 =	simm.s32 $0xFFFFFFFF;
	p2 =	slt.u32 s8, $0xFFFFF086  }
0x1c: {  	p1 =	slt.u32 s9, $0xF7A;
	s5 =	simm.s32 @!p2 $0x0  }
0x1d: {  	s5 =	simm.s32 @p1 $0x1;
	p0 =	seq.s32 s7, s2  }
0x1e: {  	s7 =	smul.u32 @!p0 $0xF7A, s2;
	p2 =	seq.s32 @!p0 s5, $0x0  }
0x1f: {  	s9 =	smul.u32 $0xF7A, s1;
	s8 =	simm.s32 @!p0 $0x1BF5;
	p2 =	por !p2, p0  }
0x20: {  	[sflag:s8] =	ssyncset.s32 @!p0 $0xFFFFF086;
	s6 =	sadd.s32 @!p0 s3, s7;
	s7 =	simm.s32 @!p0 $0x108  }
0x21: {  	s3 =	sadd.s32 s3, s9;
	s6 =	sadd.s32 @!p0 $0x88, s6;
	s7 =	simm.s32 @p2 $0x1082  }
0x22: {  	[simem:s7], [sflag:s8] =	dma.local @!p0 [hbm:s6], $0xF7A  }
0x23: {  	s9 =	sor.u32 $0xD0000000, s2;
	s6 =	simm.s32 $0x108;
	_ =	swait.ge @!p0 [sflag:s8], $0x0  }
0x24: {  	s3 =	sadd.s32 $0x88, s3;
	s6 =	simm.s32 @!p1 $0x1082;
	[sflag:s4] =	ssyncset.s32 $0xFFFFF086  }
0x25: {  	[simem:s6], [sflag:s4] =	dma.local [hbm:s3], $0xF7A  }
0x26: {  	[smem:$0x3F91] =	sst s1;
	(tag) =	ssettag s2;
	_ =	strace s9  }
0x27: {  	s1 =	sld [smem:$0x3FA1]  }
0x28: {  	s2 =	sld [smem:$0x3FA2]  }
0x29: {  	s4 =	sld [smem:$0x3FA4]  }
0x2a: {  	p0 =	seq.s32 s5, $0x0;
	s5 =	sld [smem:$0x3FA5]  }
0x2b: {  	s6 =	sld [smem:$0x3FA6]  }
0x2c: {  	s7 =	sld [smem:$0x3FA7]  }
0x2d: {  	s3 =	simm.s32 $0x108;
	s8 =	sld [smem:$0x3FA8]  }
0x2e: {  	s3 =	simm.s32 @!p0 $0x1082;
	s9 =	sld [smem:$0x3FA9]  }
0x2f: {  	lr =	sadd.s32 s0, s3;
	s0 =	sld [smem:$0x3FA0]  }
0x30: {  	s3 =	sld [smem:$0x3FA3]  }
0x31: {  	[smem:$0x3FAC] =	sst s10  }
0x32: {  	s10 =	sld [smem:$0x3FAA];
	_ =	sdelay $0x3  }
0x33: {  	p0 =	seq.s32 s10, $0x1;
	s10 =	sld [smem:$0x3FAC];
	_ =	sdelay $0x3  }
0x34: {  	[smem:$0x3FAC] =	sst s10  }
0x35: {  	s10 =	sld [smem:$0x3FAB];
	_ =	sdelay $0x3  }
0x36: {  	p1 =	seq.s32 s10, $0x1;
	s10 =	sld [smem:$0x3FAC];
	_ =	sdelay $0x3  }
0x37: {  	[smem:$0x3FAC] =	sst s10  }
0x38: {  	s10 =	sld [smem:$0x3FAD]  }
0x39: {  	_ = 	snop;
	(pc) =	sbr.ind lr, $3  }
0x3a: {  	_ = 	snop  }
0x3b: {  	_ = 	snop  }
0x3c: {  	p2 =	seq.s32 s10, $0x1;
	s10 =	sld [smem:$0x3FAC]  }
0x3d: {  	_ =	shalt  }
0x3e: {  	_ =	shalt  }
0x3f: {  	_ =	shalt  }
0x40: {  	_ =	shalt  }
0x41: {  	_ =	shalt  }
0x42: {  	_ =	shalt  }
0x43: {  	_ =	shalt  }
0x44: {  	_ =	shalt  }
0x45: {  	_ =	shalt  }
0x46: {  	_ =	shalt  }
0x47: {  	_ =	shalt  }
0x48: {  	_ =	shalt  }
0x49: {  	_ =	shalt  }
0x4a: {  	_ =	shalt  }
0x4b: {  	_ =	shalt  }
0x4c: {  	_ =	shalt  }
0x4d: {  	_ =	shalt  }
0x4e: {  	_ =	shalt  }
0x4f: {  	_ =	shalt  }
0x50: {  	_ =	shalt  }
0x51: {  	_ =	shalt  }
0x52: {  	_ =	shalt  }
0x53: {  	_ =	shalt  }
0x54: {  	_ =	shalt  }
0x55: {  	_ =	shalt  }
0x56: {  	_ =	shalt  }
0x57: {  	_ =	shalt  }
0x58: {  	_ =	shalt  }
0x59: {  	_ =	shalt  }
0x5a: {  	_ =	shalt  }
0x5b: {  	_ =	shalt  }
0x5c: {  	_ =	shalt  }
0x5d: {  	_ =	shalt  }
0x5e: {  	_ =	shalt  }
0x5f: {  	_ =	shalt  }
0x60: {  	_ =	shalt  }
0x61: {  	_ =	shalt  }
0x62: {  	_ =	shalt  }
0x63: {  	_ =	shalt  }
0x64: {  	_ =	shalt  }
0x65: {  	_ =	shalt  }
0x66: {  	_ =	shalt  }
0x67: {  	_ =	shalt  }
0x68: {  	_ =	shalt  }
0x69: {  	_ =	shalt  }
0x6a: {  	_ =	shalt  }
0x6b: {  	_ =	shalt  }
0x6c: {  	_ =	shalt  }
0x6d: {  	_ =	shalt  }
0x6e: {  	_ =	shalt  }
0x6f: {  	_ =	shalt  }
0x70: {  	_ =	shalt  }
0x71: {  	_ =	shalt  }
0x72: {  	_ =	shalt  }
0x73: {  	_ =	shalt  }
0x74: {  	_ =	shalt  }
0x75: {  	_ =	shalt  }
0x76: {  	_ =	shalt  }
0x77: {  	_ =	shalt  }
0x78: {  	_ =	shalt  }
0x79: {  	_ =	shalt  }
0x7a: {  	_ =	shalt  }
0x7b: {  	_ =	shalt  }
0x7c: {  	_ =	shalt  }
0x7d: {  	_ =	shalt  }
0x7e: {  	_ =	shalt  }
0x7f: {  	_ =	shalt  }
0x80: {  	_ =	shalt  }
0x81: {  	_ =	shalt  }
0x82: {  	_ =	shalt  }
0x83: {  	_ =	shalt  }
0x84: {  	_ =	shalt  }
0x85: {  	_ =	shalt  }
0x86: {  	_ =	shalt  }
0x87: {  	_ =	shalt  }
.Lfunc_end0:
.L_simem_size_0:
called_computation_lowered:
.L_overlay_start_0:
0x88: {  	s2 =	sld [smem:$0x3FD9]  }
0x89: {  	s3 =	sld [smem:$0x3FFE];
	_ =	sdelay $0x1  }
0x8a: {  	s1 =	srdreg.scid  }
0x8b: {  	s0 =	sand.u32 $0x1, s1  }
0x8c: {  	s16 =	sshll.u32 s0, $0xA;
	s2 =	sadd.s32 s3, s2  }
0x8d: {  	s2 =	sadd.s32 s2, s16  }
0x8e: {  	[smem:$0x3FB8] =	sst s2  }
0x8f: {  	_ = 	snop  }
0x90: {  	(tm) =	ssettm $0x1  }
0x91: {  	s17 =	sld [smem:$0x3FFB];
	_ =	sdelay $0x3  }
0x92: {  	_ =	strace s17  }
0x93: {  	s2 =	sld [smem:$0x3FFC];
	_ =	sdelay $0x3  }
0x94: {  	_ =	strace s2  }
0x95: {  	s2 =	sld [smem:$0x3FFD];
	_ =	sdelay $0x3  }
0x96: {  	_ =	strace s2  }
0x97: {  	_ =	strace $0x8FFFFFFF  }
0x98: {  	s18 =	sld [smem:$0x3FDB];
	_ =	sdelay $0x1  }
0x99: {  	s19 =	simm.s32 $_scs_section_size  }
0x9a: {  	s4 =	simm.s32 $_size__tile_overlayer_lowered;
	s5 =	simm.s32 $_tile_overlayer_lowered  }
0x9b: {  	s22 =	simm.s32 $0x1BFF;
	s21 =	sshll.u32 s5, $0x1;
	s2 =	sadd.s32 s19, s18  }
0x9c: {  	s6 =	simm.s32 $0x0;
	s20 =	sshll.u32 s4, $0x1;
	s4 =	sadd.s32 s21, s2  }
0x9d: {  	[timem:s6], [sflag:s22] =	dma.local [hbm:s4], s20  }
0x9e: {  	_ =	swait.ge [sflag:s22], s20  }
0x9f: {  	s3 =	ssub.s32 $0x0, s20;
	[sflag:s22] =	ssyncset.done $0x0  }
0xa0: {  	[sflag:s22] =	ssyncadd.s32 s3;
	_ =	sdelay $0x1  }
0xa1: {  	s23 =	simm.s32 $0x1B8B  }
0xa2: {  	_ =	swait.ge [sflag:s23], $0x1  }
0xa3: {  	[sflag:s23] =	ssyncset.done $0x0  }
0xa4: {  	s25 =	simm.s32 $0x1B8E;
	s24 =	sld [smem:$0x3FFE];
	[sflag:s23] =	ssyncadd.s32 $0xFFFFFFFF  }
0xa5: {  	s26 =	simm.s32 $execute0_lowered;
	[smem:$0x3FD2] =	sst s25  }
0xa6: {  	s4 =	sshll.u32 s26, $0x1;
	_ =	strace $0x80000046;
	[dreg:$0x1] =	wrdreg $0xFFFFFFFF  }
0xa7: {  	s28 =	simm.s32 $_size_execute0_lowered;
	s2 =	sadd.s32 s2, s4;
	[dreg:$0x0] =	wrdreg $0x0  }
0xa8: {  	s4 =	sshll.u32 s28, $0x1;
	[dreg:$0x2] =	wrdreg s2  }
0xa9: {  	[dreg:$0x3] =	wrdreg s4  }
0xaa: {  	[dreg:$0x4] =	wrdreg $0xC0  }
0xab: {  	_ =	task [dreg:s6], $0x5FFFF  }
0xac: {  	[dreg:$0x1] =	wrdreg $0xFFFFFFFF  }
0xad: {  	[dreg:$0x0] =	wrdreg $0x60  }
0xae: {  	[dreg:$0x2] =	wrdreg s24  }
0xaf: {  	[dreg:$0x3] =	wrdreg $0x9  }
0xb0: {  	_ =	task.clear_ibuf [dreg:s6], $0x4FFFF;
	_ =	strace $0x90000046  }
0xb1: {  	s29 =	simm.s32 $0x9;
	_ =	strace $0x80000048  }
0xb2: {  	_ =	swait.ge [sflag:s29], $0x1  }
0xb3: {  	[sflag:s29] =	ssyncadd.s32 $0xFFFFFFFF  }
0xb4: {  	_ =	strace $0x90000048  }
0xb5: {  	_ =	sfence  }
0xb6: {  	s30 =	sld [smem:$0x0];
	_ =	sdelay $0x2  }
0xb7: {  	s31 =	sshll.u32 s1, $0xD;
	s1 =	sshrl.u32 s1, $0x2  }
0xb8: {  	s3 =	sand.u32 $0x4000, s31;
	s1 =	sadd.s32 s1, s30  }
0xb9: {  	s0 =	sor.u32 s3, s0;
	s1 =	sshll.u32 s1, $0x11  }
0xba: {  	s0 =	sor.u32 s1, s0  }
0xbb: {  	s0 =	sadd.s32 $0x8F2B, s0  }
0xbc: {  	[sflag:s0] =	ssyncadd.remote.s32 $0x1  }
0xbd: {  	_ =	sfence.sel $0xFFFF  }
0xbe: {  	[dreg:$0x0] =	wrdreg $0xFFFFFFFF;
	(pc) =	sbr.abs _section_cstart, $3  }
0xbf: {  	[dreg:$0x1] =	wrdreg $0xFFFFFFFF  }
0xc0: {  	_ =	task.clear_ibuf [dreg:s6], $0x2FFFF;
	_ =	strace $0x9FFFFFFF  }
0xc1: {  	(tm) =	ssettm $0x7FFFFFFF  }
tec
execute0_lowered:
.L_overlay_start_1:
0x0: {  	(tag) =	ssettag $0x1  }
0x1: {  	s4 =	rddreg [dreg:$0x0]  }
0x2: {  	s0 =	rddreg [dreg:$0x1]  }
0x3: {  	s1 =	simm.s32 $0x0;
	s5 =	srdreg.scid;
	s2 =	stileid.u32  }
0x4: {  	s10 =	simm.s32 $0x7400;
	s11 =	simm.s32 $0xA800;
	s12 =	simm.s32 $0xDC00  }
0x5: {  	s13 =	simm.s32 $0x11000;
	s14 =	simm.s32 $0x14400;
	s15 =	simm.s32 $0x17800  }
0x6: {  	s16 =	simm.s32 $0x1AC00;
	s17 =	simm.s32 $0x1;
	s18 =	simm.s32 $0x0  }
0x7: {  	[smem:$0x7FF] =	sst s1;
	s3 =	sadd.s32 $0x12400, s4;
	s5 =	sand.u32 $0x1, s5  }
0x8: {  	s6 =	sshll.u32 s2, $0xC;
	s7 =	smul.u32 $0x68000, s2;
	_ =	strace $0x80000047  }
0x9: {  	s8 =	sshll.u32 s5, $0xB;
	s9 =	ssub.s32 $0x2, s5;
	s5 =	smul.u32 $0x34000, s5  }
0xa: {  	s6 =	sor.u32 s8, s6;
	s7 =	sadd.s32 s7, s4;
	s30 =	sshrl.u32 s9, $0x1  }
0xb: {  	s8 =	simm.s32 $0x68;
	s4 =	sadd.s32 s6, s4;
	s31 =	ssub.s32 s9, s30  }
0xc: {  	s7 =	sadd.s32 s5, s7;
	s9 =	simm.s32 $0x4000;
	s4 =	sadd.s32 $0x2400, s4  }
0xd: {  	s5 =	smax.u32 s31, $0x1;
	s6 =	sadd.s32 $0x27E2400, s7;
	s7 =	simm.s32 $0x2  }
.LBB2_1:
0xe: {  	[tilespmem:s1], [sflag:$0x2] =	stream.linear.gather [hbm4b:s4+s1], $0x4000, $0x38;
	[tilespmem:$0x1E000] =	vst v63  }
0xf: {  	_ =	swait.ge [sflag:s7], $0x4000  }
0x10: {  	[sflag:s7] =	ssyncset.done $0x0  }
0x11: {  	s19 =	simm.s32 $0x0;
	[sflag:s7] =	ssyncadd.s32 $0xFFFFC000  }
0x12: {  	[tilespmem:s9], [sflag:$0x1] =	stream.indirect.gather [hbm4b:s3+s8], $0x80, s19, s8, $0xb8;
	[tilespmem:$0x1E000] =	vst v63  }
0x13: {  	s24 =	simm.s32 $0x80  }
0x14: {  	[tilespmem:s10], [sflag:$0x1] =	stream.indirect.gather [hbm4b:s3+s8], $0x80, s24, s8, $0xb8;
	[tilespmem:$0x1E000] =	vst v63  }
0x15: {  	s25 =	simm.s32 $0x100  }
0x16: {  	[tilespmem:s11], [sflag:$0x1] =	stream.indirect.gather [hbm4b:s3+s8], $0x80, s25, s8, $0xb8;
	[tilespmem:$0x1E000] =	vst v63  }
0x17: {  	s26 =	simm.s32 $0x180  }
0x18: {  	[tilespmem:s12], [sflag:$0x1] =	stream.indirect.gather [hbm4b:s3+s8], $0x80, s26, s8, $0xb8;
	[tilespmem:$0x1E000] =	vst v63  }
0x19: {  	s28 =	simm.s32 $0x200  }
0x1a: {  	[tilespmem:s13], [sflag:$0x1] =	stream.indirect.gather [hbm4b:s3+s8], $0x80, s28, s8, $0xb8;
	[tilespmem:$0x1E000] =	vst v63  }
0x1b: {  	s29 =	simm.s32 $0x280  }
0x1c: {  	[tilespmem:s14], [sflag:$0x1] =	stream.indirect.gather [hbm4b:s3+s8], $0x80, s29, s8, $0xb8;
	[tilespmem:$0x1E000] =	vst v63  }
0x1d: {  	s30 =	simm.s32 $0x300  }
0x1e: {  	[tilespmem:s15], [sflag:$0x1] =	stream.indirect.gather [hbm4b:s3+s8], $0x80, s30, s8, $0xb8;
	[tilespmem:$0x1E000] =	vst v63  }
0x1f: {  	s31 =	simm.s32 $0x380  }
0x20: {  	[tilespmem:s16], [sflag:$0x1] =	stream.indirect.gather [hbm4b:s3+s8], $0x80, s31, s8, $0xb8;
	[tilespmem:$0x1E000] =	vst v63  }
0x21: {  	_ =	swait.ge [sflag:s17], $0x3400  }
0x22: {  	[sflag:s17] =	ssyncset.done $0x0  }
0x23: {  	[sflag:s17] =	ssyncadd.s32 $0xFFFFCC00  }
0x24: {  	_ =	swait.ge [sflag:s17], $0x3400  }
0x25: {  	[sflag:s17] =	ssyncset.done $0x0  }
0x26: {  	[sflag:s17] =	ssyncadd.s32 $0xFFFFCC00  }
0x27: {  	_ =	swait.ge [sflag:s17], $0x3400  }
0x28: {  	[sflag:s17] =	ssyncset.done $0x0  }
0x29: {  	[sflag:s17] =	ssyncadd.s32 $0xFFFFCC00  }
0x2a: {  	_ =	swait.ge [sflag:s17], $0x3400  }
0x2b: {  	[sflag:s17] =	ssyncset.done $0x0  }
0x2c: {  	[sflag:s17] =	ssyncadd.s32 $0xFFFFCC00  }
0x2d: {  	_ =	swait.ge [sflag:s17], $0x3400  }
0x2e: {  	[sflag:s17] =	ssyncset.done $0x0  }
0x2f: {  	[sflag:s17] =	ssyncadd.s32 $0xFFFFCC00  }
0x30: {  	_ =	swait.ge [sflag:s17], $0x3400  }
0x31: {  	[sflag:s17] =	ssyncset.done $0x0  }
0x32: {  	[sflag:s17] =	ssyncadd.s32 $0xFFFFCC00  }
0x33: {  	_ =	swait.ge [sflag:s17], $0x3400  }
0x34: {  	[sflag:s17] =	ssyncset.done $0x0  }
0x35: {  	[sflag:s17] =	ssyncadd.s32 $0xFFFFCC00  }
0x36: {  	_ =	swait.ge [sflag:s17], $0x3400  }
0x37: {  	[sflag:s17] =	ssyncset.done $0x0  }
0x38: {  	[sflag:s17] =	ssyncadd.s32 $0xFFFFCC00  }
0x39: {  	[hbm4b:s6+s1] =	stream.linear.scatter [tilespmem:s9], [sflag:$0x2], $0x1A000, $0x38;
	[tilespmem:$0x1E000] =	vst v63  }
0x3a: {  	s20 =	simm.s32 $0x1000;
	_ =	swait.ge [sflag:s7], $0x1A000  }
0x3b: {  	s22 =	simm.s32 $0x2000;
	s19 =	sadd.s32 $0x3400, s6;
	[sflag:s7] =	ssyncset.done $0x0  }
.LBB2_2:
0x3c: {  	s23 =	sshra.s32 s20, $0x2  }
0x3d: {  	[sflag:s7] =	ssyncadd.s32 $0xFFFE6000;
	s20 =	smov.u32 s22;
	s21 =	sadd.s32 $0x1000, s22  }
0x3e: {  	[tilespmem:s9], [sflag:$0x1] =	stream.indirect.gather [hbm4b:s3+s8], $0x80, s23, s8, $0xb8;
	[tilespmem:$0x1E000] =	vst v63  }
0x3f: {  	p0 =	sne.s32 s22, $0xF000;
	s22 =	sadd.s32 $0x80, s23  }
0x40: {  	[tilespmem:s10], [sflag:$0x1] =	stream.indirect.gather [hbm4b:s3+s8], $0x80, s22, s8, $0xb8;
	[tilespmem:$0x1E000] =	vst v63  }
0x41: {  	s22 =	sadd.s32 $0x100, s23  }
0x42: {  	[tilespmem:s11], [sflag:$0x1] =	stream.indirect.gather [hbm4b:s3+s8], $0x80, s22, s8, $0xb8;
	[tilespmem:$0x1E000] =	vst v63  }
0x43: {  	s22 =	sadd.s32 $0x180, s23  }
0x44: {  	[tilespmem:s12], [sflag:$0x1] =	stream.indirect.gather [hbm4b:s3+s8], $0x80, s22, s8, $0xb8;
	[tilespmem:$0x1E000] =	vst v63  }
0x45: {  	s22 =	sadd.s32 $0x200, s23  }
0x46: {  	[tilespmem:s13], [sflag:$0x1] =	stream.indirect.gather [hbm4b:s3+s8], $0x80, s22, s8, $0xb8;
	[tilespmem:$0x1E000] =	vst v63  }
0x47: {  	s22 =	sadd.s32 $0x280, s23  }
0x48: {  	[tilespmem:s14], [sflag:$0x1] =	stream.indirect.gather [hbm4b:s3+s8], $0x80, s22, s8, $0xb8;
	[tilespmem:$0x1E000] =	vst v63  }
0x49: {  	s22 =	sadd.s32 $0x300, s23  }
0x4a: {  	[tilespmem:s15], [sflag:$0x1] =	stream.indirect.gather [hbm4b:s3+s8], $0x80, s22, s8, $0xb8;
	[tilespmem:$0x1E000] =	vst v63  }
0x4b: {  	s22 =	sadd.s32 $0x380, s23  }
0x4c: {  	[tilespmem:s16], [sflag:$0x1] =	stream.indirect.gather [hbm4b:s3+s8], $0x80, s22, s8, $0xb8;
	[tilespmem:$0x1E000] =	vst v63  }
0x4d: {  	_ =	swait.ge [sflag:s17], $0x3400  }
0x4e: {  	[sflag:s17] =	ssyncset.done $0x0  }
0x4f: {  	[sflag:s17] =	ssyncadd.s32 $0xFFFFCC00  }
0x50: {  	_ =	swait.ge [sflag:s17], $0x3400  }
0x51: {  	[sflag:s17] =	ssyncset.done $0x0  }
0x52: {  	[sflag:s17] =	ssyncadd.s32 $0xFFFFCC00  }
0x53: {  	_ =	swait.ge [sflag:s17], $0x3400  }
0x54: {  	[sflag:s17] =	ssyncset.done $0x0  }
0x55: {  	[sflag:s17] =	ssyncadd.s32 $0xFFFFCC00  }
0x56: {  	_ =	swait.ge [sflag:s17], $0x3400  }
0x57: {  	[sflag:s17] =	ssyncset.done $0x0  }
0x58: {  	[sflag:s17] =	ssyncadd.s32 $0xFFFFCC00  }
0x59: {  	_ =	swait.ge [sflag:s17], $0x3400  }
0x5a: {  	[sflag:s17] =	ssyncset.done $0x0  }
0x5b: {  	[sflag:s17] =	ssyncadd.s32 $0xFFFFCC00  }
0x5c: {  	_ =	swait.ge [sflag:s17], $0x3400  }
0x5d: {  	[sflag:s17] =	ssyncset.done $0x0  }
0x5e: {  	[sflag:s17] =	ssyncadd.s32 $0xFFFFCC00  }
0x5f: {  	_ =	swait.ge [sflag:s17], $0x3400  }
0x60: {  	[sflag:s17] =	ssyncset.done $0x0  }
0x61: {  	[sflag:s17] =	ssyncadd.s32 $0xFFFFCC00  }
0x62: {  	_ =	swait.ge [sflag:s17], $0x3400  }
.Ltmp0:
0x63: {  	[sflag:s17] =	ssyncset.done $0x0;
	(pc) =	sbr.rel @p0 .LBB2_2-.Ltmp0, $4  }
0x64: {  	[sflag:s17] =	ssyncadd.s32 $0xFFFFCC00  }
0x65: {  	[hbm4b:s19+s1] =	stream.linear.scatter [tilespmem:s9], [sflag:$0x2], $0x1A000, $0x38;
	[tilespmem:$0x1E000] =	vst v63  }
0x66: {  	_ =	swait.ge [sflag:s7], $0x1A000  }
0x67: {  	s22 =	smov.u32 s21;
	s19 =	sadd.s32 $0x3400, s19;
	[sflag:s7] =	ssyncset.done $0x0  }
0x68: {  	s20 =	sshra.s32 s20, $0x2;
	[sflag:s7] =	ssyncadd.s32 $0xFFFE6000  }
0x69: {  	[tilespmem:s9], [sflag:$0x1] =	stream.indirect.gather [hbm4b:s3+s8], $0x80, s20, s8, $0xb8;
	[tilespmem:$0x1E000] =	vst v63  }
0x6a: {  	s21 =	sadd.s32 $0x80, s20  }
0x6b: {  	[tilespmem:s10], [sflag:$0x1] =	stream.indirect.gather [hbm4b:s3+s8], $0x80, s21, s8, $0xb8;
	[tilespmem:$0x1E000] =	vst v63  }
0x6c: {  	s26 =	sadd.s32 $0x100, s20  }
0x6d: {  	[tilespmem:s11], [sflag:$0x1] =	stream.indirect.gather [hbm4b:s3+s8], $0x80, s26, s8, $0xb8;
	[tilespmem:$0x1E000] =	vst v63  }
0x6e: {  	s28 =	sadd.s32 $0x180, s20  }
0x6f: {  	[tilespmem:s12], [sflag:$0x1] =	stream.indirect.gather [hbm4b:s3+s8], $0x80, s28, s8, $0xb8;
	[tilespmem:$0x1E000] =	vst v63  }
0x70: {  	s29 =	sadd.s32 $0x200, s20  }
0x71: {  	[tilespmem:s13], [sflag:$0x1] =	stream.indirect.gather [hbm4b:s3+s8], $0x80, s29, s8, $0xb8;
	[tilespmem:$0x1E000] =	vst v63  }
0x72: {  	s30 =	sadd.s32 $0x280, s20  }
0x73: {  	[tilespmem:s14], [sflag:$0x1] =	stream.indirect.gather [hbm4b:s3+s8], $0x80, s30, s8, $0xb8;
	[tilespmem:$0x1E000] =	vst v63  }
0x74: {  	s31 =	sadd.s32 $0x300, s20  }
0x75: {  	[tilespmem:s15], [sflag:$0x1] =	stream.indirect.gather [hbm4b:s3+s8], $0x80, s31, s8, $0xb8;
	[tilespmem:$0x1E000] =	vst v63  }
0x76: {  	s20 =	sadd.s32 $0x380, s20  }
0x77: {  	[tilespmem:s16], [sflag:$0x1] =	stream.indirect.gather [hbm4b:s3+s8], $0x80, s20, s8, $0xb8;
	[tilespmem:$0x1E000] =	vst v63  }
0x78: {  	_ =	swait.ge [sflag:s17], $0x3400  }
0x79: {  	[sflag:s17] =	ssyncset.done $0x0  }
0x7a: {  	[sflag:s17] =	ssyncadd.s32 $0xFFFFCC00  }
0x7b: {  	_ =	swait.ge [sflag:s17], $0x3400  }
0x7c: {  	[sflag:s17] =	ssyncset.done $0x0  }
0x7d: {  	[sflag:s17] =	ssyncadd.s32 $0xFFFFCC00  }
0x7e: {  	_ =	swait.ge [sflag:s17], $0x3400  }
0x7f: {  	[sflag:s17] =	ssyncset.done $0x0  }
0x80: {  	[sflag:s17] =	ssyncadd.s32 $0xFFFFCC00  }
0x81: {  	_ =	swait.ge [sflag:s17], $0x3400  }
0x82: {  	[sflag:s17] =	ssyncset.done $0x0  }
0x83: {  	[sflag:s17] =	ssyncadd.s32 $0xFFFFCC00  }
0x84: {  	_ =	swait.ge [sflag:s17], $0x3400  }
0x85: {  	[sflag:s17] =	ssyncset.done $0x0  }
0x86: {  	[sflag:s17] =	ssyncadd.s32 $0xFFFFCC00  }
0x87: {  	_ =	swait.ge [sflag:s17], $0x3400  }
0x88: {  	[sflag:s17] =	ssyncset.done $0x0  }
0x89: {  	[sflag:s17] =	ssyncadd.s32 $0xFFFFCC00  }
0x8a: {  	_ =	swait.ge [sflag:s17], $0x3400  }
0x8b: {  	[sflag:s17] =	ssyncset.done $0x0  }
0x8c: {  	[sflag:s17] =	ssyncadd.s32 $0xFFFFCC00  }
0x8d: {  	s18 =	sadd.s32 $0x1, s18;
	_ =	swait.ge [sflag:s17], $0x3400  }
0x8e: {  	p0 =	sne.s32 s18, s5;
	[sflag:s17] =	ssyncset.done $0x0  }
.Ltmp1:
0x8f: {  	[sflag:s17] =	ssyncadd.s32 $0xFFFFCC00;
	(pc) =	sbr.rel @p0 .LBB2_1-.Ltmp1, $4  }
0x90: {  	[hbm4b:s19+s1] =	stream.linear.scatter [tilespmem:s9], [sflag:$0x2], $0x1A000, $0x38;
	[tilespmem:$0x1E000] =	vst v63  }
0x91: {  	_ =	swait.ge [sflag:s7], $0x1A000  }
0x92: {  	[sflag:s7] =	ssyncset.done $0x0  }
0x93: {  	[sflag:s7] =	ssyncadd.s32 $0xFFFE6000  }
0x94: {  	_ =	sfence.sel $0x180000  }
0x95: {  	[bflag:$0x0] =	sbarrier.arrive $0xFFFF  }
0x96: {  	p0 =	sne.s32 s2, $0x0;
	_ =	strace $0x90000047  }
0x97: {  	s0 =	sadd.s32 @!p0 $0x100000, s0;
	[bflag:$0x2] =	sbarrier.arrive $0xFFFF  }
0x98: {  	[sflag:s0] =	ssyncadd.tile.s32 @!p0 $0x1;
	_ =	shalt  }
.Lfunc_end2:
_tile_overlayer_lowered:
.L_overlay_start_2:
0x99: {  	(tag) =	ssettag $0x2  }
0x9a: {  	s0 =	rddreg [dreg:$0x0];
	s2 =	stileid.u32  }
0x9b: {  	s1 =	rddreg [dreg:$0x1];
	p0 =	sne.s32 s2, $0x0  }
0x9c: {  	s3 =	rddreg [dreg:$0x2];
	[bflag:$0x3] =	sbarrier.arrive $0xFFFF;
	s2 =	simm.s32 @!p0 $0x1C02  }
0x9d: {  	[timem:s3], [sflag:s2] =	dma.local @!p0 [hbm:s0], s1  }
0x9e: {  	s0 =	simm.s32 @!p0 $0x2  }
0x9f: {  	_ =	swait.ge @!p0 [sflag:s0], s1  }
0xa0: {  	s1 =	ssub.s32 @!p0 $0x0, s1;
	[sflag:s0] =	ssyncset.done @!p0 $0x0  }
0xa1: {  	[sflag:s0] =	ssyncadd.s32 @!p0 s1  }
0xa2: {  	[bflag:$0x3] =	sbarrier.arrive $0xFFFF  }
0xa3: {  	_ =	shalt  }

</sc_bundles>
